<compile_context>
chip_gen: v7x
topology: tpu7x:2x2x1
jax: 0.10.2.dev20260603
libtpu: 0.0.44.dev20260713+nightly
codegen_flags: <defaults>
</compile_context>

<pallas_src>
import functools

import jax
import jax.numpy as jnp
from jax import lax
from jax.experimental import pallas as pl
from jax.experimental.pallas import tpu as pltpu
from jax.experimental.pallas import tpu_sc as plsc

BATCH = 16384
EMBED_DIM = 64
VOCAB = 100000

_info = plsc.get_sparse_core_info()
_NC, _NS, _NL = _info.num_cores, _info.num_subcores, _info.num_lanes
_NW = _NC * _NS
_ROWS_PER_W = EMBED_DIM // _NW
_CHUNK = 4096
_NCHUNK = BATCH // _CHUNK
_NBUF = 3

_mesh = plsc.VectorSubcoreMesh(core_axis_name="c", subcore_axis_name="s")


@functools.partial(
    pl.kernel,
    mesh=_mesh,
    compiler_params=pltpu.CompilerParams(needs_layout_passes=False),
    out_type=[
        jax.ShapeDtypeStruct((EMBED_DIM, BATCH), jnp.float32),
        jax.ShapeDtypeStruct((EMBED_DIM, BATCH), jnp.float32),
    ],
    scratch_types=[
        pltpu.VMEM((VOCAB,), jnp.float32),
        pltpu.VMEM((BATCH,), jnp.int32),
        pltpu.VMEM((_NBUF * _CHUNK,), jnp.float32),
        pltpu.SemaphoreType.DMA,
        pltpu.SemaphoreType.DMA,
        pltpu.SemaphoreType.DMA,
    ],
)
def _lane_gather(sid_hbm, tid_hbm, w1t_hbm, w2t_hbm, o1t_hbm, o2t_hbm,
                 row_v, idx_v, out_v, row_sem, out_sem, idx_sem):
    wid = lax.axis_index("c") * _NS + lax.axis_index("s")

    def fire_row(wt_hbm, d):
        return [pltpu.async_copy(wt_hbm.at[d], row_v, row_sem)]

    def fire_idx(idx_hbm):
        return [pltpu.async_copy(idx_hbm, idx_v, idx_sem)]

    tasks = [(w1t_hbm, o1t_hbm, 0), (w1t_hbm, o1t_hbm, 1),
             (w2t_hbm, o2t_hbm, 0), (w2t_hbm, o2t_hbm, 1)]

    pending = fire_idx(sid_hbm) + fire_row(w1t_hbm, wid * _ROWS_PER_W)
    copies = []
    for t, (wt_hbm, ot_hbm, r) in enumerate(tasks):
        d = wid * _ROWS_PER_W + r
        for cp in pending:
            cp.wait()
        pending = []
        for c in range(_NCHUNK):
            buf = (t * _NCHUNK + c) % _NBUF
            if len(copies) >= _NBUF - 1:
                copies.pop(0).wait()

            @plsc.parallel_loop(0, _CHUNK, _NL, unroll=8)
            def gather_body(j):
                ids = idx_v[pl.ds(c * _CHUNK + j, _NL)]
                out_v[pl.ds(buf * _CHUNK + j, _NL)] = plsc.load_gather(
                    row_v, [ids])

            if c == _NCHUNK - 1 and t + 1 < len(tasks):
                nwt, _, nr = tasks[t + 1]
                pending = fire_row(nwt, wid * _ROWS_PER_W + nr)
                if t == 1:
                    pending += fire_idx(tid_hbm)
            copies.append(pltpu.async_copy(
                out_v.at[pl.ds(buf * _CHUNK, _CHUNK)],
                ot_hbm.at[d, pl.ds(c * _CHUNK, _CHUNK)],
                out_sem))
    for cp in copies:
        cp.wait()


def kernel(speaker_id, target_speaker_id, speaker_embed_weight,
           vocoder_embed_weight):
    o1t, o2t = _lane_gather(speaker_id, target_speaker_id,
                            speaker_embed_weight.T, vocoder_embed_weight.T)
    return (o1t.T, o2t.T)

# --- scband reference (transcript-rebuilt; emitter-appended) ---
"""Pipeline reference for scband-dual-speaker-embedding-44478681317646 (READ-ONLY COPY).

The authoritative reference and input builder live on the scoring server;
editing this copy changes nothing except your own understanding.
"""

import jax, jax.numpy as jnp
import numpy as np

NUM_SPEAKERS = 100000
EMBED_DIM = 64
BATCH = 16384

def setup_inputs(seed: int = 0) -> dict:
    key = jax.random.key(seed)
    k1, k2, k3, k4 = jax.random.split(key, 4)
    speaker_id = jax.random.randint(k1, (BATCH,), 0, NUM_SPEAKERS, dtype=jnp.int64 if jax.config.jax_enable_x64 else jnp.int32)
    target_speaker_id = jax.random.randint(k2, (BATCH,), 0, NUM_SPEAKERS, dtype=jnp.int64 if jax.config.jax_enable_x64 else jnp.int32)
    speaker_embed_weight = jax.random.normal(k3, (NUM_SPEAKERS, EMBED_DIM), dtype=jnp.float32)
    vocoder_embed_weight = jax.random.normal(k4, (NUM_SPEAKERS, EMBED_DIM), dtype=jnp.float32)
    return {
        "speaker_id": speaker_id,
        "target_speaker_id": target_speaker_id,
        "speaker_embed_weight": speaker_embed_weight,
        "vocoder_embed_weight": vocoder_embed_weight,
    }

def reference(speaker_id, target_speaker_id, speaker_embed_weight, vocoder_embed_weight):
    acoustic_speaker_embed = jnp.take(speaker_embed_weight, speaker_id, axis=0)
    vocoder_speaker_embed = jnp.take(vocoder_embed_weight, target_speaker_id, axis=0)
    return (acoustic_speaker_embed, vocoder_speaker_embed)

if __name__ == "__main__":
    import jax
    _d = setup_inputs()
    print(jax.jit(kernel)(*tuple(_d.values())))

</pallas_src>

<mosaic_0001>
#map = affine_map<(d0, d1) -> (0)>
#map1 = affine_map<(d0, d1) -> (0, 0)>
module attributes {stable_mosaic.version = 14 : i64} {
  func.func @_lane_gather(%arg0: i32, %arg1: i32, %arg2: memref<16384xi32, #tpu.memory_space<hbm>>, %arg3: memref<16384xi32, #tpu.memory_space<hbm>>, %arg4: memref<64x100000xf32, #tpu.memory_space<hbm>>, %arg5: memref<64x100000xf32, #tpu.memory_space<hbm>>, %arg6: memref<64x16384xf32, #tpu.memory_space<hbm>>, %arg7: memref<64x16384xf32, #tpu.memory_space<hbm>>, %arg8: memref<100000xf32, #tpu.memory_space<vmem>>, %arg9: memref<16384xi32, #tpu.memory_space<vmem>>, %arg10: memref<12288xf32, #tpu.memory_space<vmem>>, %arg11: memref<!tpu.dma_semaphore, #tpu.memory_space<semaphore_mem>>, %arg12: memref<!tpu.dma_semaphore, #tpu.memory_space<semaphore_mem>>, %arg13: memref<!tpu.dma_semaphore, #tpu.memory_space<semaphore_mem>>) attributes {dimension_semantics = [#tpu.dimension_semantics<core_parallel>, #tpu.dimension_semantics<subcore_parallel>], iteration_bounds = array<i64: 2, 16>, scalar_prefetch = 0 : i64, scratch_operands = 6 : i64, tpu.core_type = #tpu.core_type<sc_vector_subcore>, window_params = [{transform_indices = #map}, {transform_indices = #map}, {transform_indices = #map1}, {transform_indices = #map1}, {transform_indices = #map1}, {transform_indices = #map1}]} {
    %mul3A = arith.constant 16 : i32
    %mul3A_0 = arith.muli %arg0, %mul3A : i32
    %add3A = arith.addi %mul3A_0, %arg1 : i32
    tpu.enqueue_dma source(%arg2 : memref<16384xi32, #tpu.memory_space<hbm>>) target(%arg9 : memref<16384xi32, #tpu.memory_space<vmem>>) target_semaphore(%arg13 : memref<!tpu.dma_semaphore, #tpu.memory_space<semaphore_mem>>)
    %mul3A_1 = arith.constant 2 : i32
    %mul3A_2 = arith.muli %add3A, %mul3A_1 : i32
    %dma_start3A = arith.constant 0 : i32
    %dma_start3A_3 = tpu.memref_slice %arg4[%mul3A_2, %dma_start3A] : memref<64x100000xf32, #tpu.memory_space<hbm>> -> memref<1x100000xf32, #tpu.memory_space<hbm>>
    %dma_start3A_4 = tpu.memref_squeeze %dma_start3A_3 : memref<1x100000xf32, #tpu.memory_space<hbm>> -> memref<100000xf32, #tpu.memory_space<hbm>>
    %dma_start3A_5 = arith.constant 0 : i32
    %dma_start3A_6 = tpu.memref_slice %arg4[%mul3A_2, %dma_start3A_5] : memref<64x100000xf32, #tpu.memory_space<hbm>> -> memref<1x100000xf32, #tpu.memory_space<hbm>>
    %dma_start3A_7 = tpu.memref_squeeze %dma_start3A_6 : memref<1x100000xf32, #tpu.memory_space<hbm>> -> memref<100000xf32, #tpu.memory_space<hbm>>
    tpu.enqueue_dma source(%dma_start3A_7 : memref<100000xf32, #tpu.memory_space<hbm>>) target(%arg8 : memref<100000xf32, #tpu.memory_space<vmem>>) target_semaphore(%arg11 : memref<!tpu.dma_semaphore, #tpu.memory_space<semaphore_mem>>)
    %mul3A_8 = arith.constant 2 : i32
    %mul3A_9 = arith.muli %add3A, %mul3A_8 : i32
    %add3A_10 = arith.constant 0 : i32
    %add3A_11 = arith.addi %mul3A_9, %add3A_10 : i32
    tpu.wait_dma2 semaphore(%arg13 : memref<!tpu.dma_semaphore, #tpu.memory_space<semaphore_mem>>) src(%arg2 : memref<16384xi32, #tpu.memory_space<hbm>>) dst(%arg9 : memref<16384xi32, #tpu.memory_space<vmem>>)
    %dma_wait3A = arith.constant 0 : i32
    %dma_wait3A_12 = tpu.memref_slice %arg4[%mul3A_2, %dma_wait3A] : memref<64x100000xf32, #tpu.memory_space<hbm>> -> memref<1x100000xf32, #tpu.memory_space<hbm>>
    %dma_wait3A_13 = tpu.memref_squeeze %dma_wait3A_12 : memref<1x100000xf32, #tpu.memory_space<hbm>> -> memref<100000xf32, #tpu.memory_space<hbm>>
    %dma_wait3A_14 = arith.constant 0 : i32
    %dma_wait3A_15 = tpu.memref_slice %arg4[%mul3A_2, %dma_wait3A_14] : memref<64x100000xf32, #tpu.memory_space<hbm>> -> memref<1x100000xf32, #tpu.memory_space<hbm>>
    %dma_wait3A_16 = tpu.memref_squeeze %dma_wait3A_15 : memref<1x100000xf32, #tpu.memory_space<hbm>> -> memref<100000xf32, #tpu.memory_space<hbm>>
    tpu.wait_dma2 semaphore(%arg11 : memref<!tpu.dma_semaphore, #tpu.memory_space<semaphore_mem>>) src(%dma_wait3A_16 : memref<100000xf32, #tpu.memory_space<hbm>>) dst(%arg8 : memref<100000xf32, #tpu.memory_space<vmem>>)
    %parallel_loop3A = arith.constant 0 : i32
    %parallel_loop3A_17 = arith.constant 4096 : i32
    %parallel_loop3A_18 = arith.constant 16 : i32
    scf.for %parallel_loop3A_444 = %parallel_loop3A to %parallel_loop3A_17 step %parallel_loop3A_18  : i32 {
      %parallel_loop3A_445 = arith.constant 0 : i32
      %parallel_loop3A_446 = arith.addi %parallel_loop3A_445, %parallel_loop3A_444 : i32
      %parallel_loop3A_447 = arith.index_cast %parallel_loop3A_446 : i32 to index
      %parallel_loop3A_448 = tpu.vector_load %arg9[%parallel_loop3A_447] {strides = array<i32>} : memref<16384xi32, #tpu.memory_space<vmem>>, vector<16xi32>,
      %parallel_loop3A_449 = tpu.vector_load_idx %arg8[%parallel_loop3A_448] : memref<100000xf32, #tpu.memory_space<vmem>>[vector<16xi32>], vector<16xf32>,
      %parallel_loop3A_450 = arith.constant 0 : i32
      %parallel_loop3A_451 = arith.addi %parallel_loop3A_450, %parallel_loop3A_444 : i32
      %parallel_loop3A_452 = arith.index_cast %parallel_loop3A_451 : i32 to index
      %parallel_loop3A_453 = tpu.vector_load %arg10[%parallel_loop3A_452] {strides = array<i32>} : memref<12288xf32, #tpu.memory_space<vmem>>, vector<16xf32>,
      tpu.vector_store %arg10[%parallel_loop3A_452], %parallel_loop3A_449 {strides = array<i32>} : memref<12288xf32, #tpu.memory_space<vmem>>, vector<16xf32>,
    } {sc.loop_unroll_factor = 8 : i64, sc.parallel_access}
    %dma_start3A_19 = arith.constant 0 : i32
    %dma_start3A_20 = tpu.memref_slice %arg10[%dma_start3A_19] : memref<12288xf32, #tpu.memory_space<vmem>> -> memref<4096xf32, #tpu.memory_space<vmem>>
    %dma_start3A_21 = arith.constant 0 : i32
    %dma_start3A_22 = tpu.memref_slice %arg6[%add3A_11, %dma_start3A_21] : memref<64x16384xf32, #tpu.memory_space<hbm>> -> memref<1x4096xf32, #tpu.memory_space<hbm>>
    %dma_start3A_23 = tpu.memref_squeeze %dma_start3A_22 : memref<1x4096xf32, #tpu.memory_space<hbm>> -> memref<4096xf32, #tpu.memory_space<hbm>>
    %dma_start3A_24 = arith.constant 0 : i32
    %dma_start3A_25 = tpu.memref_slice %arg6[%add3A_11, %dma_start3A_24] : memref<64x16384xf32, #tpu.memory_space<hbm>> -> memref<1x4096xf32, #tpu.memory_space<hbm>>
    %dma_start3A_26 = tpu.memref_squeeze %dma_start3A_25 : memref<1x4096xf32, #tpu.memory_space<hbm>> -> memref<4096xf32, #tpu.memory_space<hbm>>
    %dma_start3A_27 = arith.constant 0 : i32
    %dma_start3A_28 = tpu.memref_slice %arg10[%dma_start3A_27] : memref<12288xf32, #tpu.memory_space<vmem>> -> memref<4096xf32, #tpu.memory_space<vmem>>
    tpu.enqueue_dma source(%dma_start3A_28 : memref<4096xf32, #tpu.memory_space<vmem>>) target(%dma_start3A_26 : memref<4096xf32, #tpu.memory_space<hbm>>) target_semaphore(%arg12 : memref<!tpu.dma_semaphore, #tpu.memory_space<semaphore_mem>>)
    %parallel_loop3A_29 = arith.constant 0 : i32
    %parallel_loop3A_30 = arith.constant 4096 : i32
    %parallel_loop3A_31 = arith.constant 16 : i32
    scf.for %parallel_loop3A_444 = %parallel_loop3A_29 to %parallel_loop3A_30 step %parallel_loop3A_31  : i32 {
      %parallel_loop3A_445 = arith.constant 4096 : i32
      %parallel_loop3A_446 = arith.addi %parallel_loop3A_445, %parallel_loop3A_444 : i32
      %parallel_loop3A_447 = arith.index_cast %parallel_loop3A_446 : i32 to index
      %parallel_loop3A_448 = tpu.vector_load %arg9[%parallel_loop3A_447] {strides = array<i32>} : memref<16384xi32, #tpu.memory_space<vmem>>, vector<16xi32>,
      %parallel_loop3A_449 = tpu.vector_load_idx %arg8[%parallel_loop3A_448] : memref<100000xf32, #tpu.memory_space<vmem>>[vector<16xi32>], vector<16xf32>,
      %parallel_loop3A_450 = arith.constant 4096 : i32
      %parallel_loop3A_451 = arith.addi %parallel_loop3A_450, %parallel_loop3A_444 : i32
      %parallel_loop3A_452 = arith.index_cast %parallel_loop3A_451 : i32 to index
      %parallel_loop3A_453 = tpu.vector_load %arg10[%parallel_loop3A_452] {strides = array<i32>} : memref<12288xf32, #tpu.memory_space<vmem>>, vector<16xf32>,
      tpu.vector_store %arg10[%parallel_loop3A_452], %parallel_loop3A_449 {strides = array<i32>} : memref<12288xf32, #tpu.memory_space<vmem>>, vector<16xf32>,
    } {sc.loop_unroll_factor = 8 : i64, sc.parallel_access}
    %dma_start3A_32 = arith.constant 4096 : i32
    %dma_start3A_33 = tpu.memref_slice %arg10[%dma_start3A_32] : memref<12288xf32, #tpu.memory_space<vmem>> -> memref<4096xf32, #tpu.memory_space<vmem>>
    %dma_start3A_34 = arith.constant 4096 : i32
    %dma_start3A_35 = tpu.memref_slice %arg6[%add3A_11, %dma_start3A_34] : memref<64x16384xf32, #tpu.memory_space<hbm>> -> memref<1x4096xf32, #tpu.memory_space<hbm>>
    %dma_start3A_36 = tpu.memref_squeeze %dma_start3A_35 : memref<1x4096xf32, #tpu.memory_space<hbm>> -> memref<4096xf32, #tpu.memory_space<hbm>>
    %dma_start3A_37 = arith.constant 4096 : i32
    %dma_start3A_38 = tpu.memref_slice %arg6[%add3A_11, %dma_start3A_37] : memref<64x16384xf32, #tpu.memory_space<hbm>> -> memref<1x4096xf32, #tpu.memory_space<hbm>>
    %dma_start3A_39 = tpu.memref_squeeze %dma_start3A_38 : memref<1x4096xf32, #tpu.memory_space<hbm>> -> memref<4096xf32, #tpu.memory_space<hbm>>
    %dma_start3A_40 = arith.constant 4096 : i32
    %dma_start3A_41 = tpu.memref_slice %arg10[%dma_start3A_40] : memref<12288xf32, #tpu.memory_space<vmem>> -> memref<4096xf32, #tpu.memory_space<vmem>>
    tpu.enqueue_dma source(%dma_start3A_41 : memref<4096xf32, #tpu.memory_space<vmem>>) target(%dma_start3A_39 : memref<4096xf32, #tpu.memory_space<hbm>>) target_semaphore(%arg12 : memref<!tpu.dma_semaphore, #tpu.memory_space<semaphore_mem>>)
    %dma_wait3A_42 = arith.constant 0 : i32
    %dma_wait3A_43 = tpu.memref_slice %arg10[%dma_wait3A_42] : memref<12288xf32, #tpu.memory_space<vmem>> -> memref<4096xf32, #tpu.memory_space<vmem>>
    %dma_wait3A_44 = arith.constant 0 : i32
    %dma_wait3A_45 = tpu.memref_slice %arg6[%add3A_11, %dma_wait3A_44] : memref<64x16384xf32, #tpu.memory_space<hbm>> -> memref<1x4096xf32, #tpu.memory_space<hbm>>
    %dma_wait3A_46 = tpu.memref_squeeze %dma_wait3A_45 : memref<1x4096xf32, #tpu.memory_space<hbm>> -> memref<4096xf32, #tpu.memory_space<hbm>>
    %dma_wait3A_47 = arith.constant 0 : i32
    %dma_wait3A_48 = tpu.memref_slice %arg6[%add3A_11, %dma_wait3A_47] : memref<64x16384xf32, #tpu.memory_space<hbm>> -> memref<1x4096xf32, #tpu.memory_space<hbm>>
    %dma_wait3A_49 = tpu.memref_squeeze %dma_wait3A_48 : memref<1x4096xf32, #tpu.memory_space<hbm>> -> memref<4096xf32, #tpu.memory_space<hbm>>
    %dma_wait3A_50 = arith.constant 0 : i32
    %dma_wait3A_51 = tpu.memref_slice %arg10[%dma_wait3A_50] : memref<12288xf32, #tpu.memory_space<vmem>> -> memref<4096xf32, #tpu.memory_space<vmem>>
    tpu.wait_dma2 semaphore(%arg12 : memref<!tpu.dma_semaphore, #tpu.memory_space<semaphore_mem>>) src(%dma_wait3A_51 : memref<4096xf32, #tpu.memory_space<vmem>>) dst(%dma_wait3A_49 : memref<4096xf32, #tpu.memory_space<hbm>>)
    %parallel_loop3A_52 = arith.constant 0 : i32
    %parallel_loop3A_53 = arith.constant 4096 : i32
    %parallel_loop3A_54 = arith.constant 16 : i32
    scf.for %parallel_loop3A_444 = %parallel_loop3A_52 to %parallel_loop3A_53 step %parallel_loop3A_54  : i32 {
      %parallel_loop3A_445 = arith.constant 8192 : i32
      %parallel_loop3A_446 = arith.addi %parallel_loop3A_445, %parallel_loop3A_444 : i32
      %parallel_loop3A_447 = arith.index_cast %parallel_loop3A_446 : i32 to index
      %parallel_loop3A_448 = tpu.vector_load %arg9[%parallel_loop3A_447] {strides = array<i32>} : memref<16384xi32, #tpu.memory_space<vmem>>, vector<16xi32>,
      %parallel_loop3A_449 = tpu.vector_load_idx %arg8[%parallel_loop3A_448] : memref<100000xf32, #tpu.memory_space<vmem>>[vector<16xi32>], vector<16xf32>,
      %parallel_loop3A_450 = arith.constant 8192 : i32
      %parallel_loop3A_451 = arith.addi %parallel_loop3A_450, %parallel_loop3A_444 : i32
      %parallel_loop3A_452 = arith.index_cast %parallel_loop3A_451 : i32 to index
      %parallel_loop3A_453 = tpu.vector_load %arg10[%parallel_loop3A_452] {strides = array<i32>} : memref<12288xf32, #tpu.memory_space<vmem>>, vector<16xf32>,
      tpu.vector_store %arg10[%parallel_loop3A_452], %parallel_loop3A_449 {strides = array<i32>} : memref<12288xf32, #tpu.memory_space<vmem>>, vector<16xf32>,
    } {sc.loop_unroll_factor = 8 : i64, sc.parallel_access}
    %dma_start3A_55 = arith.constant 8192 : i32
    %dma_start3A_56 = tpu.memref_slice %arg10[%dma_start3A_55] : memref<12288xf32, #tpu.memory_space<vmem>> -> memref<4096xf32, #tpu.memory_space<vmem>>
    %dma_start3A_57 = arith.constant 8192 : i32
    %dma_start3A_58 = tpu.memref_slice %arg6[%add3A_11, %dma_start3A_57] : memref<64x16384xf32, #tpu.memory_space<hbm>> -> memref<1x4096xf32, #tpu.memory_space<hbm>>
    %dma_start3A_59 = tpu.memref_squeeze %dma_start3A_58 : memref<1x4096xf32, #tpu.memory_space<hbm>> -> memref<4096xf32, #tpu.memory_space<hbm>>
    %dma_start3A_60 = arith.constant 8192 : i32
    %dma_start3A_61 = tpu.memref_slice %arg6[%add3A_11, %dma_start3A_60] : memref<64x16384xf32, #tpu.memory_space<hbm>> -> memref<1x4096xf32, #tpu.memory_space<hbm>>
    %dma_start3A_62 = tpu.memref_squeeze %dma_start3A_61 : memref<1x4096xf32, #tpu.memory_space<hbm>> -> memref<4096xf32, #tpu.memory_space<hbm>>
    %dma_start3A_63 = arith.constant 8192 : i32
    %dma_start3A_64 = tpu.memref_slice %arg10[%dma_start3A_63] : memref<12288xf32, #tpu.memory_space<vmem>> -> memref<4096xf32, #tpu.memory_space<vmem>>
    tpu.enqueue_dma source(%dma_start3A_64 : memref<4096xf32, #tpu.memory_space<vmem>>) target(%dma_start3A_62 : memref<4096xf32, #tpu.memory_space<hbm>>) target_semaphore(%arg12 : memref<!tpu.dma_semaphore, #tpu.memory_space<semaphore_mem>>)
    %dma_wait3A_65 = arith.constant 4096 : i32
    %dma_wait3A_66 = tpu.memref_slice %arg10[%dma_wait3A_65] : memref<12288xf32, #tpu.memory_space<vmem>> -> memref<4096xf32, #tpu.memory_space<vmem>>
    %dma_wait3A_67 = arith.constant 4096 : i32
    %dma_wait3A_68 = tpu.memref_slice %arg6[%add3A_11, %dma_wait3A_67] : memref<64x16384xf32, #tpu.memory_space<hbm>> -> memref<1x4096xf32, #tpu.memory_space<hbm>>
    %dma_wait3A_69 = tpu.memref_squeeze %dma_wait3A_68 : memref<1x4096xf32, #tpu.memory_space<hbm>> -> memref<4096xf32, #tpu.memory_space<hbm>>
    %dma_wait3A_70 = arith.constant 4096 : i32
    %dma_wait3A_71 = tpu.memref_slice %arg6[%add3A_11, %dma_wait3A_70] : memref<64x16384xf32, #tpu.memory_space<hbm>> -> memref<1x4096xf32, #tpu.memory_space<hbm>>
    %dma_wait3A_72 = tpu.memref_squeeze %dma_wait3A_71 : memref<1x4096xf32, #tpu.memory_space<hbm>> -> memref<4096xf32, #tpu.memory_space<hbm>>
    %dma_wait3A_73 = arith.constant 4096 : i32
    %dma_wait3A_74 = tpu.memref_slice %arg10[%dma_wait3A_73] : memref<12288xf32, #tpu.memory_space<vmem>> -> memref<4096xf32, #tpu.memory_space<vmem>>
    tpu.wait_dma2 semaphore(%arg12 : memref<!tpu.dma_semaphore, #tpu.memory_space<semaphore_mem>>) src(%dma_wait3A_74 : memref<4096xf32, #tpu.memory_space<vmem>>) dst(%dma_wait3A_72 : memref<4096xf32, #tpu.memory_space<hbm>>)
    %parallel_loop3A_75 = arith.constant 0 : i32
    %parallel_loop3A_76 = arith.constant 4096 : i32
    %parallel_loop3A_77 = arith.constant 16 : i32
    scf.for %parallel_loop3A_444 = %parallel_loop3A_75 to %parallel_loop3A_76 step %parallel_loop3A_77  : i32 {
      %parallel_loop3A_445 = arith.constant 12288 : i32
      %parallel_loop3A_446 = arith.addi %parallel_loop3A_445, %parallel_loop3A_444 : i32
      %parallel_loop3A_447 = arith.index_cast %parallel_loop3A_446 : i32 to index
      %parallel_loop3A_448 = tpu.vector_load %arg9[%parallel_loop3A_447] {strides = array<i32>} : memref<16384xi32, #tpu.memory_space<vmem>>, vector<16xi32>,
      %parallel_loop3A_449 = tpu.vector_load_idx %arg8[%parallel_loop3A_448] : memref<100000xf32, #tpu.memory_space<vmem>>[vector<16xi32>], vector<16xf32>,
      %parallel_loop3A_450 = arith.constant 0 : i32
      %parallel_loop3A_451 = arith.addi %parallel_loop3A_450, %parallel_loop3A_444 : i32
      %parallel_loop3A_452 = arith.index_cast %parallel_loop3A_451 : i32 to index
      %parallel_loop3A_453 = tpu.vector_load %arg10[%parallel_loop3A_452] {strides = array<i32>} : memref<12288xf32, #tpu.memory_space<vmem>>, vector<16xf32>,
      tpu.vector_store %arg10[%parallel_loop3A_452], %parallel_loop3A_449 {strides = array<i32>} : memref<12288xf32, #tpu.memory_space<vmem>>, vector<16xf32>,
    } {sc.loop_unroll_factor = 8 : i64, sc.parallel_access}
    %mul3A_78 = arith.constant 2 : i32
    %mul3A_79 = arith.muli %add3A, %mul3A_78 : i32
    %add3A_80 = arith.constant 1 : i32
    %add3A_81 = arith.addi %mul3A_79, %add3A_80 : i32
    %dma_start3A_82 = arith.constant 0 : i32
    %dma_start3A_83 = tpu.memref_slice %arg4[%add3A_81, %dma_start3A_82] : memref<64x100000xf32, #tpu.memory_space<hbm>> -> memref<1x100000xf32, #tpu.memory_space<hbm>>
    %dma_start3A_84 = tpu.memref_squeeze %dma_start3A_83 : memref<1x100000xf32, #tpu.memory_space<hbm>> -> memref<100000xf32, #tpu.memory_space<hbm>>
    %dma_start3A_85 = arith.constant 0 : i32
    %dma_start3A_86 = tpu.memref_slice %arg4[%add3A_81, %dma_start3A_85] : memref<64x100000xf32, #tpu.memory_space<hbm>> -> memref<1x100000xf32, #tpu.memory_space<hbm>>
    %dma_start3A_87 = tpu.memref_squeeze %dma_start3A_86 : memref<1x100000xf32, #tpu.memory_space<hbm>> -> memref<100000xf32, #tpu.memory_space<hbm>>
    tpu.enqueue_dma source(%dma_start3A_87 : memref<100000xf32, #tpu.memory_space<hbm>>) target(%arg8 : memref<100000xf32, #tpu.memory_space<vmem>>) target_semaphore(%arg11 : memref<!tpu.dma_semaphore, #tpu.memory_space<semaphore_mem>>)
    %dma_start3A_88 = arith.constant 0 : i32
    %dma_start3A_89 = tpu.memref_slice %arg10[%dma_start3A_88] : memref<12288xf32, #tpu.memory_space<vmem>> -> memref<4096xf32, #tpu.memory_space<vmem>>
    %dma_start3A_90 = arith.constant 12288 : i32
    %dma_start3A_91 = tpu.memref_slice %arg6[%add3A_11, %dma_start3A_90] : memref<64x16384xf32, #tpu.memory_space<hbm>> -> memref<1x4096xf32, #tpu.memory_space<hbm>>
    %dma_start3A_92 = tpu.memref_squeeze %dma_start3A_91 : memref<1x4096xf32, #tpu.memory_space<hbm>> -> memref<4096xf32, #tpu.memory_space<hbm>>
    %dma_start3A_93 = arith.constant 12288 : i32
    %dma_start3A_94 = tpu.memref_slice %arg6[%add3A_11, %dma_start3A_93] : memref<64x16384xf32, #tpu.memory_space<hbm>> -> memref<1x4096xf32, #tpu.memory_space<hbm>>
    %dma_start3A_95 = tpu.memref_squeeze %dma_start3A_94 : memref<1x4096xf32, #tpu.memory_space<hbm>> -> memref<4096xf32, #tpu.memory_space<hbm>>
    %dma_start3A_96 = arith.constant 0 : i32
    %dma_start3A_97 = tpu.memref_slice %arg10[%dma_start3A_96] : memref<12288xf32, #tpu.memory_space<vmem>> -> memref<4096xf32, #tpu.memory_space<vmem>>
    tpu.enqueue_dma source(%dma_start3A_97 : memref<4096xf32, #tpu.memory_space<vmem>>) target(%dma_start3A_95 : memref<4096xf32, #tpu.memory_space<hbm>>) target_semaphore(%arg12 : memref<!tpu.dma_semaphore, #tpu.memory_space<semaphore_mem>>)
    %mul3A_98 = arith.constant 2 : i32
    %mul3A_99 = arith.muli %add3A, %mul3A_98 : i32
    %add3A_100 = arith.constant 1 : i32
    %add3A_101 = arith.addi %mul3A_99, %add3A_100 : i32
    %dma_wait3A_102 = arith.constant 0 : i32
    %dma_wait3A_103 = tpu.memref_slice %arg4[%add3A_81, %dma_wait3A_102] : memref<64x100000xf32, #tpu.memory_space<hbm>> -> memref<1x100000xf32, #tpu.memory_space<hbm>>
    %dma_wait3A_104 = tpu.memref_squeeze %dma_wait3A_103 : memref<1x100000xf32, #tpu.memory_space<hbm>> -> memref<100000xf32, #tpu.memory_space<hbm>>
    %dma_wait3A_105 = arith.constant 0 : i32
    %dma_wait3A_106 = tpu.memref_slice %arg4[%add3A_81, %dma_wait3A_105] : memref<64x100000xf32, #tpu.memory_space<hbm>> -> memref<1x100000xf32, #tpu.memory_space<hbm>>
    %dma_wait3A_107 = tpu.memref_squeeze %dma_wait3A_106 : memref<1x100000xf32, #tpu.memory_space<hbm>> -> memref<100000xf32, #tpu.memory_space<hbm>>
    tpu.wait_dma2 semaphore(%arg11 : memref<!tpu.dma_semaphore, #tpu.memory_space<semaphore_mem>>) src(%dma_wait3A_107 : memref<100000xf32, #tpu.memory_space<hbm>>) dst(%arg8 : memref<100000xf32, #tpu.memory_space<vmem>>)
    %dma_wait3A_108 = arith.constant 8192 : i32
    %dma_wait3A_109 = tpu.memref_slice %arg10[%dma_wait3A_108] : memref<12288xf32, #tpu.memory_space<vmem>> -> memref<4096xf32, #tpu.memory_space<vmem>>
    %dma_wait3A_110 = arith.constant 8192 : i32
    %dma_wait3A_111 = tpu.memref_slice %arg6[%add3A_11, %dma_wait3A_110] : memref<64x16384xf32, #tpu.memory_space<hbm>> -> memref<1x4096xf32, #tpu.memory_space<hbm>>
    %dma_wait3A_112 = tpu.memref_squeeze %dma_wait3A_111 : memref<1x4096xf32, #tpu.memory_space<hbm>> -> memref<4096xf32, #tpu.memory_space<hbm>>
    %dma_wait3A_113 = arith.constant 8192 : i32
    %dma_wait3A_114 = tpu.memref_slice %arg6[%add3A_11, %dma_wait3A_113] : memref<64x16384xf32, #tpu.memory_space<hbm>> -> memref<1x4096xf32, #tpu.memory_space<hbm>>
    %dma_wait3A_115 = tpu.memref_squeeze %dma_wait3A_114 : memref<1x4096xf32, #tpu.memory_space<hbm>> -> memref<4096xf32, #tpu.memory_space<hbm>>
    %dma_wait3A_116 = arith.constant 8192 : i32
    %dma_wait3A_117 = tpu.memref_slice %arg10[%dma_wait3A_116] : memref<12288xf32, #tpu.memory_space<vmem>> -> memref<4096xf32, #tpu.memory_space<vmem>>
    tpu.wait_dma2 semaphore(%arg12 : memref<!tpu.dma_semaphore, #tpu.memory_space<semaphore_mem>>) src(%dma_wait3A_117 : memref<4096xf32, #tpu.memory_space<vmem>>) dst(%dma_wait3A_115 : memref<4096xf32, #tpu.memory_space<hbm>>)
    %parallel_loop3A_118 = arith.constant 0 : i32
    %parallel_loop3A_119 = arith.constant 4096 : i32
    %parallel_loop3A_120 = arith.constant 16 : i32
    scf.for %parallel_loop3A_444 = %parallel_loop3A_118 to %parallel_loop3A_119 step %parallel_loop3A_120  : i32 {
      %parallel_loop3A_445 = arith.constant 0 : i32
      %parallel_loop3A_446 = arith.addi %parallel_loop3A_445, %parallel_loop3A_444 : i32
      %parallel_loop3A_447 = arith.index_cast %parallel_loop3A_446 : i32 to index
      %parallel_loop3A_448 = tpu.vector_load %arg9[%parallel_loop3A_447] {strides = array<i32>} : memref<16384xi32, #tpu.memory_space<vmem>>, vector<16xi32>,
      %parallel_loop3A_449 = tpu.vector_load_idx %arg8[%parallel_loop3A_448] : memref<100000xf32, #tpu.memory_space<vmem>>[vector<16xi32>], vector<16xf32>,
      %parallel_loop3A_450 = arith.constant 4096 : i32
      %parallel_loop3A_451 = arith.addi %parallel_loop3A_450, %parallel_loop3A_444 : i32
      %parallel_loop3A_452 = arith.index_cast %parallel_loop3A_451 : i32 to index
      %parallel_loop3A_453 = tpu.vector_load %arg10[%parallel_loop3A_452] {strides = array<i32>} : memref<12288xf32, #tpu.memory_space<vmem>>, vector<16xf32>,
      tpu.vector_store %arg10[%parallel_loop3A_452], %parallel_loop3A_449 {strides = array<i32>} : memref<12288xf32, #tpu.memory_space<vmem>>, vector<16xf32>,
    } {sc.loop_unroll_factor = 8 : i64, sc.parallel_access}
    %dma_start3A_121 = arith.constant 4096 : i32
    %dma_start3A_122 = tpu.memref_slice %arg10[%dma_start3A_121] : memref<12288xf32, #tpu.memory_space<vmem>> -> memref<4096xf32, #tpu.memory_space<vmem>>
    %dma_start3A_123 = arith.constant 0 : i32
    %dma_start3A_124 = tpu.memref_slice %arg6[%add3A_101, %dma_start3A_123] : memref<64x16384xf32, #tpu.memory_space<hbm>> -> memref<1x4096xf32, #tpu.memory_space<hbm>>
    %dma_start3A_125 = tpu.memref_squeeze %dma_start3A_124 : memref<1x4096xf32, #tpu.memory_space<hbm>> -> memref<4096xf32, #tpu.memory_space<hbm>>
    %dma_start3A_126 = arith.constant 0 : i32
    %dma_start3A_127 = tpu.memref_slice %arg6[%add3A_101, %dma_start3A_126] : memref<64x16384xf32, #tpu.memory_space<hbm>> -> memref<1x4096xf32, #tpu.memory_space<hbm>>
    %dma_start3A_128 = tpu.memref_squeeze %dma_start3A_127 : memref<1x4096xf32, #tpu.memory_space<hbm>> -> memref<4096xf32, #tpu.memory_space<hbm>>
    %dma_start3A_129 = arith.constant 4096 : i32
    %dma_start3A_130 = tpu.memref_slice %arg10[%dma_start3A_129] : memref<12288xf32, #tpu.memory_space<vmem>> -> memref<4096xf32, #tpu.memory_space<vmem>>
    tpu.enqueue_dma source(%dma_start3A_130 : memref<4096xf32, #tpu.memory_space<vmem>>) target(%dma_start3A_128 : memref<4096xf32, #tpu.memory_space<hbm>>) target_semaphore(%arg12 : memref<!tpu.dma_semaphore, #tpu.memory_space<semaphore_mem>>)
    %dma_wait3A_131 = arith.constant 0 : i32
    %dma_wait3A_132 = tpu.memref_slice %arg10[%dma_wait3A_131] : memref<12288xf32, #tpu.memory_space<vmem>> -> memref<4096xf32, #tpu.memory_space<vmem>>
    %dma_wait3A_133 = arith.constant 12288 : i32
    %dma_wait3A_134 = tpu.memref_slice %arg6[%add3A_11, %dma_wait3A_133] : memref<64x16384xf32, #tpu.memory_space<hbm>> -> memref<1x4096xf32, #tpu.memory_space<hbm>>
    %dma_wait3A_135 = tpu.memref_squeeze %dma_wait3A_134 : memref<1x4096xf32, #tpu.memory_space<hbm>> -> memref<4096xf32, #tpu.memory_space<hbm>>
    %dma_wait3A_136 = arith.constant 12288 : i32
    %dma_wait3A_137 = tpu.memref_slice %arg6[%add3A_11, %dma_wait3A_136] : memref<64x16384xf32, #tpu.memory_space<hbm>> -> memref<1x4096xf32, #tpu.memory_space<hbm>>
    %dma_wait3A_138 = tpu.memref_squeeze %dma_wait3A_137 : memref<1x4096xf32, #tpu.memory_space<hbm>> -> memref<4096xf32, #tpu.memory_space<hbm>>
    %dma_wait3A_139 = arith.constant 0 : i32
    %dma_wait3A_140 = tpu.memref_slice %arg10[%dma_wait3A_139] : memref<12288xf32, #tpu.memory_space<vmem>> -> memref<4096xf32, #tpu.memory_space<vmem>>
    tpu.wait_dma2 semaphore(%arg12 : memref<!tpu.dma_semaphore, #tpu.memory_space<semaphore_mem>>) src(%dma_wait3A_140 : memref<4096xf32, #tpu.memory_space<vmem>>) dst(%dma_wait3A_138 : memref<4096xf32, #tpu.memory_space<hbm>>)
    %parallel_loop3A_141 = arith.constant 0 : i32
    %parallel_loop3A_142 = arith.constant 4096 : i32
    %parallel_loop3A_143 = arith.constant 16 : i32
    scf.for %parallel_loop3A_444 = %parallel_loop3A_141 to %parallel_loop3A_142 step %parallel_loop3A_143  : i32 {
      %parallel_loop3A_445 = arith.constant 4096 : i32
      %parallel_loop3A_446 = arith.addi %parallel_loop3A_445, %parallel_loop3A_444 : i32
      %parallel_loop3A_447 = arith.index_cast %parallel_loop3A_446 : i32 to index
      %parallel_loop3A_448 = tpu.vector_load %arg9[%parallel_loop3A_447] {strides = array<i32>} : memref<16384xi32, #tpu.memory_space<vmem>>, vector<16xi32>,
      %parallel_loop3A_449 = tpu.vector_load_idx %arg8[%parallel_loop3A_448] : memref<100000xf32, #tpu.memory_space<vmem>>[vector<16xi32>], vector<16xf32>,
      %parallel_loop3A_450 = arith.constant 8192 : i32
      %parallel_loop3A_451 = arith.addi %parallel_loop3A_450, %parallel_loop3A_444 : i32
      %parallel_loop3A_452 = arith.index_cast %parallel_loop3A_451 : i32 to index
      %parallel_loop3A_453 = tpu.vector_load %arg10[%parallel_loop3A_452] {strides = array<i32>} : memref<12288xf32, #tpu.memory_space<vmem>>, vector<16xf32>,
      tpu.vector_store %arg10[%parallel_loop3A_452], %parallel_loop3A_449 {strides = array<i32>} : memref<12288xf32, #tpu.memory_space<vmem>>, vector<16xf32>,
    } {sc.loop_unroll_factor = 8 : i64, sc.parallel_access}
    %dma_start3A_144 = arith.constant 8192 : i32
    %dma_start3A_145 = tpu.memref_slice %arg10[%dma_start3A_144] : memref<12288xf32, #tpu.memory_space<vmem>> -> memref<4096xf32, #tpu.memory_space<vmem>>
    %dma_start3A_146 = arith.constant 4096 : i32
    %dma_start3A_147 = tpu.memref_slice %arg6[%add3A_101, %dma_start3A_146] : memref<64x16384xf32, #tpu.memory_space<hbm>> -> memref<1x4096xf32, #tpu.memory_space<hbm>>
    %dma_start3A_148 = tpu.memref_squeeze %dma_start3A_147 : memref<1x4096xf32, #tpu.memory_space<hbm>> -> memref<4096xf32, #tpu.memory_space<hbm>>
    %dma_start3A_149 = arith.constant 4096 : i32
    %dma_start3A_150 = tpu.memref_slice %arg6[%add3A_101, %dma_start3A_149] : memref<64x16384xf32, #tpu.memory_space<hbm>> -> memref<1x4096xf32, #tpu.memory_space<hbm>>
    %dma_start3A_151 = tpu.memref_squeeze %dma_start3A_150 : memref<1x4096xf32, #tpu.memory_space<hbm>> -> memref<4096xf32, #tpu.memory_space<hbm>>
    %dma_start3A_152 = arith.constant 8192 : i32
    %dma_start3A_153 = tpu.memref_slice %arg10[%dma_start3A_152] : memref<12288xf32, #tpu.memory_space<vmem>> -> memref<4096xf32, #tpu.memory_space<vmem>>
    tpu.enqueue_dma source(%dma_start3A_153 : memref<4096xf32, #tpu.memory_space<vmem>>) target(%dma_start3A_151 : memref<4096xf32, #tpu.memory_space<hbm>>) target_semaphore(%arg12 : memref<!tpu.dma_semaphore, #tpu.memory_space<semaphore_mem>>)
    %dma_wait3A_154 = arith.constant 4096 : i32
    %dma_wait3A_155 = tpu.memref_slice %arg10[%dma_wait3A_154] : memref<12288xf32, #tpu.memory_space<vmem>> -> memref<4096xf32, #tpu.memory_space<vmem>>
    %dma_wait3A_156 = arith.constant 0 : i32
    %dma_wait3A_157 = tpu.memref_slice %arg6[%add3A_101, %dma_wait3A_156] : memref<64x16384xf32, #tpu.memory_space<hbm>> -> memref<1x4096xf32, #tpu.memory_space<hbm>>
    %dma_wait3A_158 = tpu.memref_squeeze %dma_wait3A_157 : memref<1x4096xf32, #tpu.memory_space<hbm>> -> memref<4096xf32, #tpu.memory_space<hbm>>
    %dma_wait3A_159 = arith.constant 0 : i32
    %dma_wait3A_160 = tpu.memref_slice %arg6[%add3A_101, %dma_wait3A_159] : memref<64x16384xf32, #tpu.memory_space<hbm>> -> memref<1x4096xf32, #tpu.memory_space<hbm>>
    %dma_wait3A_161 = tpu.memref_squeeze %dma_wait3A_160 : memref<1x4096xf32, #tpu.memory_space<hbm>> -> memref<4096xf32, #tpu.memory_space<hbm>>
    %dma_wait3A_162 = arith.constant 4096 : i32
    %dma_wait3A_163 = tpu.memref_slice %arg10[%dma_wait3A_162] : memref<12288xf32, #tpu.memory_space<vmem>> -> memref<4096xf32, #tpu.memory_space<vmem>>
    tpu.wait_dma2 semaphore(%arg12 : memref<!tpu.dma_semaphore, #tpu.memory_space<semaphore_mem>>) src(%dma_wait3A_163 : memref<4096xf32, #tpu.memory_space<vmem>>) dst(%dma_wait3A_161 : memref<4096xf32, #tpu.memory_space<hbm>>)
    %parallel_loop3A_164 = arith.constant 0 : i32
    %parallel_loop3A_165 = arith.constant 4096 : i32
    %parallel_loop3A_166 = arith.constant 16 : i32
    scf.for %parallel_loop3A_444 = %parallel_loop3A_164 to %parallel_loop3A_165 step %parallel_loop3A_166  : i32 {
      %parallel_loop3A_445 = arith.constant 8192 : i32
      %parallel_loop3A_446 = arith.addi %parallel_loop3A_445, %parallel_loop3A_444 : i32
      %parallel_loop3A_447 = arith.index_cast %parallel_loop3A_446 : i32 to index
      %parallel_loop3A_448 = tpu.vector_load %arg9[%parallel_loop3A_447] {strides = array<i32>} : memref<16384xi32, #tpu.memory_space<vmem>>, vector<16xi32>,
      %parallel_loop3A_449 = tpu.vector_load_idx %arg8[%parallel_loop3A_448] : memref<100000xf32, #tpu.memory_space<vmem>>[vector<16xi32>], vector<16xf32>,
      %parallel_loop3A_450 = arith.constant 0 : i32
      %parallel_loop3A_451 = arith.addi %parallel_loop3A_450, %parallel_loop3A_444 : i32
      %parallel_loop3A_452 = arith.index_cast %parallel_loop3A_451 : i32 to index
      %parallel_loop3A_453 = tpu.vector_load %arg10[%parallel_loop3A_452] {strides = array<i32>} : memref<12288xf32, #tpu.memory_space<vmem>>, vector<16xf32>,
      tpu.vector_store %arg10[%parallel_loop3A_452], %parallel_loop3A_449 {strides = array<i32>} : memref<12288xf32, #tpu.memory_space<vmem>>, vector<16xf32>,
    } {sc.loop_unroll_factor = 8 : i64, sc.parallel_access}
    %dma_start3A_167 = arith.constant 0 : i32
    %dma_start3A_168 = tpu.memref_slice %arg10[%dma_start3A_167] : memref<12288xf32, #tpu.memory_space<vmem>> -> memref<4096xf32, #tpu.memory_space<vmem>>
    %dma_start3A_169 = arith.constant 8192 : i32
    %dma_start3A_170 = tpu.memref_slice %arg6[%add3A_101, %dma_start3A_169] : memref<64x16384xf32, #tpu.memory_space<hbm>> -> memref<1x4096xf32, #tpu.memory_space<hbm>>
    %dma_start3A_171 = tpu.memref_squeeze %dma_start3A_170 : memref<1x4096xf32, #tpu.memory_space<hbm>> -> memref<4096xf32, #tpu.memory_space<hbm>>
    %dma_start3A_172 = arith.constant 8192 : i32
    %dma_start3A_173 = tpu.memref_slice %arg6[%add3A_101, %dma_start3A_172] : memref<64x16384xf32, #tpu.memory_space<hbm>> -> memref<1x4096xf32, #tpu.memory_space<hbm>>
    %dma_start3A_174 = tpu.memref_squeeze %dma_start3A_173 : memref<1x4096xf32, #tpu.memory_space<hbm>> -> memref<4096xf32, #tpu.memory_space<hbm>>
    %dma_start3A_175 = arith.constant 0 : i32
    %dma_start3A_176 = tpu.memref_slice %arg10[%dma_start3A_175] : memref<12288xf32, #tpu.memory_space<vmem>> -> memref<4096xf32, #tpu.memory_space<vmem>>
    tpu.enqueue_dma source(%dma_start3A_176 : memref<4096xf32, #tpu.memory_space<vmem>>) target(%dma_start3A_174 : memref<4096xf32, #tpu.memory_space<hbm>>) target_semaphore(%arg12 : memref<!tpu.dma_semaphore, #tpu.memory_space<semaphore_mem>>)
    %dma_wait3A_177 = arith.constant 8192 : i32
    %dma_wait3A_178 = tpu.memref_slice %arg10[%dma_wait3A_177] : memref<12288xf32, #tpu.memory_space<vmem>> -> memref<4096xf32, #tpu.memory_space<vmem>>
    %dma_wait3A_179 = arith.constant 4096 : i32
    %dma_wait3A_180 = tpu.memref_slice %arg6[%add3A_101, %dma_wait3A_179] : memref<64x16384xf32, #tpu.memory_space<hbm>> -> memref<1x4096xf32, #tpu.memory_space<hbm>>
    %dma_wait3A_181 = tpu.memref_squeeze %dma_wait3A_180 : memref<1x4096xf32, #tpu.memory_space<hbm>> -> memref<4096xf32, #tpu.memory_space<hbm>>
    %dma_wait3A_182 = arith.constant 4096 : i32
    %dma_wait3A_183 = tpu.memref_slice %arg6[%add3A_101, %dma_wait3A_182] : memref<64x16384xf32, #tpu.memory_space<hbm>> -> memref<1x4096xf32, #tpu.memory_space<hbm>>
    %dma_wait3A_184 = tpu.memref_squeeze %dma_wait3A_183 : memref<1x4096xf32, #tpu.memory_space<hbm>> -> memref<4096xf32, #tpu.memory_space<hbm>>
    %dma_wait3A_185 = arith.constant 8192 : i32
    %dma_wait3A_186 = tpu.memref_slice %arg10[%dma_wait3A_185] : memref<12288xf32, #tpu.memory_space<vmem>> -> memref<4096xf32, #tpu.memory_space<vmem>>
    tpu.wait_dma2 semaphore(%arg12 : memref<!tpu.dma_semaphore, #tpu.memory_space<semaphore_mem>>) src(%dma_wait3A_186 : memref<4096xf32, #tpu.memory_space<vmem>>) dst(%dma_wait3A_184 : memref<4096xf32, #tpu.memory_space<hbm>>)
    %parallel_loop3A_187 = arith.constant 0 : i32
    %parallel_loop3A_188 = arith.constant 4096 : i32
    %parallel_loop3A_189 = arith.constant 16 : i32
    scf.for %parallel_loop3A_444 = %parallel_loop3A_187 to %parallel_loop3A_188 step %parallel_loop3A_189  : i32 {
      %parallel_loop3A_445 = arith.constant 12288 : i32
      %parallel_loop3A_446 = arith.addi %parallel_loop3A_445, %parallel_loop3A_444 : i32
      %parallel_loop3A_447 = arith.index_cast %parallel_loop3A_446 : i32 to index
      %parallel_loop3A_448 = tpu.vector_load %arg9[%parallel_loop3A_447] {strides = array<i32>} : memref<16384xi32, #tpu.memory_space<vmem>>, vector<16xi32>,
      %parallel_loop3A_449 = tpu.vector_load_idx %arg8[%parallel_loop3A_448] : memref<100000xf32, #tpu.memory_space<vmem>>[vector<16xi32>], vector<16xf32>,
      %parallel_loop3A_450 = arith.constant 4096 : i32
      %parallel_loop3A_451 = arith.addi %parallel_loop3A_450, %parallel_loop3A_444 : i32
      %parallel_loop3A_452 = arith.index_cast %parallel_loop3A_451 : i32 to index
      %parallel_loop3A_453 = tpu.vector_load %arg10[%parallel_loop3A_452] {strides = array<i32>} : memref<12288xf32, #tpu.memory_space<vmem>>, vector<16xf32>,
      tpu.vector_store %arg10[%parallel_loop3A_452], %parallel_loop3A_449 {strides = array<i32>} : memref<12288xf32, #tpu.memory_space<vmem>>, vector<16xf32>,
    } {sc.loop_unroll_factor = 8 : i64, sc.parallel_access}
    %mul3A_190 = arith.constant 2 : i32
    %mul3A_191 = arith.muli %add3A, %mul3A_190 : i32
    %add3A_192 = arith.constant 0 : i32
    %add3A_193 = arith.addi %mul3A_191, %add3A_192 : i32
    %dma_start3A_194 = arith.constant 0 : i32
    %dma_start3A_195 = tpu.memref_slice %arg5[%add3A_193, %dma_start3A_194] : memref<64x100000xf32, #tpu.memory_space<hbm>> -> memref<1x100000xf32, #tpu.memory_space<hbm>>
    %dma_start3A_196 = tpu.memref_squeeze %dma_start3A_195 : memref<1x100000xf32, #tpu.memory_space<hbm>> -> memref<100000xf32, #tpu.memory_space<hbm>>
    %dma_start3A_197 = arith.constant 0 : i32
    %dma_start3A_198 = tpu.memref_slice %arg5[%add3A_193, %dma_start3A_197] : memref<64x100000xf32, #tpu.memory_space<hbm>> -> memref<1x100000xf32, #tpu.memory_space<hbm>>
    %dma_start3A_199 = tpu.memref_squeeze %dma_start3A_198 : memref<1x100000xf32, #tpu.memory_space<hbm>> -> memref<100000xf32, #tpu.memory_space<hbm>>
    tpu.enqueue_dma source(%dma_start3A_199 : memref<100000xf32, #tpu.memory_space<hbm>>) target(%arg8 : memref<100000xf32, #tpu.memory_space<vmem>>) target_semaphore(%arg11 : memref<!tpu.dma_semaphore, #tpu.memory_space<semaphore_mem>>)
    tpu.enqueue_dma source(%arg3 : memref<16384xi32, #tpu.memory_space<hbm>>) target(%arg9 : memref<16384xi32, #tpu.memory_space<vmem>>) target_semaphore(%arg13 : memref<!tpu.dma_semaphore, #tpu.memory_space<semaphore_mem>>)
    %dma_start3A_200 = arith.constant 4096 : i32
    %dma_start3A_201 = tpu.memref_slice %arg10[%dma_start3A_200] : memref<12288xf32, #tpu.memory_space<vmem>> -> memref<4096xf32, #tpu.memory_space<vmem>>
    %dma_start3A_202 = arith.constant 12288 : i32
    %dma_start3A_203 = tpu.memref_slice %arg6[%add3A_101, %dma_start3A_202] : memref<64x16384xf32, #tpu.memory_space<hbm>> -> memref<1x4096xf32, #tpu.memory_space<hbm>>
    %dma_start3A_204 = tpu.memref_squeeze %dma_start3A_203 : memref<1x4096xf32, #tpu.memory_space<hbm>> -> memref<4096xf32, #tpu.memory_space<hbm>>
    %dma_start3A_205 = arith.constant 12288 : i32
    %dma_start3A_206 = tpu.memref_slice %arg6[%add3A_101, %dma_start3A_205] : memref<64x16384xf32, #tpu.memory_space<hbm>> -> memref<1x4096xf32, #tpu.memory_space<hbm>>
    %dma_start3A_207 = tpu.memref_squeeze %dma_start3A_206 : memref<1x4096xf32, #tpu.memory_space<hbm>> -> memref<4096xf32, #tpu.memory_space<hbm>>
    %dma_start3A_208 = arith.constant 4096 : i32
    %dma_start3A_209 = tpu.memref_slice %arg10[%dma_start3A_208] : memref<12288xf32, #tpu.memory_space<vmem>> -> memref<4096xf32, #tpu.memory_space<vmem>>
    tpu.enqueue_dma source(%dma_start3A_209 : memref<4096xf32, #tpu.memory_space<vmem>>) target(%dma_start3A_207 : memref<4096xf32, #tpu.memory_space<hbm>>) target_semaphore(%arg12 : memref<!tpu.dma_semaphore, #tpu.memory_space<semaphore_mem>>)
    %mul3A_210 = arith.constant 2 : i32
    %mul3A_211 = arith.muli %add3A, %mul3A_210 : i32
    %add3A_212 = arith.constant 0 : i32
    %add3A_213 = arith.addi %mul3A_211, %add3A_212 : i32
    %dma_wait3A_214 = arith.constant 0 : i32
    %dma_wait3A_215 = tpu.memref_slice %arg5[%add3A_193, %dma_wait3A_214] : memref<64x100000xf32, #tpu.memory_space<hbm>> -> memref<1x100000xf32, #tpu.memory_space<hbm>>
    %dma_wait3A_216 = tpu.memref_squeeze %dma_wait3A_215 : memref<1x100000xf32, #tpu.memory_space<hbm>> -> memref<100000xf32, #tpu.memory_space<hbm>>
    %dma_wait3A_217 = arith.constant 0 : i32
    %dma_wait3A_218 = tpu.memref_slice %arg5[%add3A_193, %dma_wait3A_217] : memref<64x100000xf32, #tpu.memory_space<hbm>> -> memref<1x100000xf32, #tpu.memory_space<hbm>>
    %dma_wait3A_219 = tpu.memref_squeeze %dma_wait3A_218 : memref<1x100000xf32, #tpu.memory_space<hbm>> -> memref<100000xf32, #tpu.memory_space<hbm>>
    tpu.wait_dma2 semaphore(%arg11 : memref<!tpu.dma_semaphore, #tpu.memory_space<semaphore_mem>>) src(%dma_wait3A_219 : memref<100000xf32, #tpu.memory_space<hbm>>) dst(%arg8 : memref<100000xf32, #tpu.memory_space<vmem>>)
    tpu.wait_dma2 semaphore(%arg13 : memref<!tpu.dma_semaphore, #tpu.memory_space<semaphore_mem>>) src(%arg3 : memref<16384xi32, #tpu.memory_space<hbm>>) dst(%arg9 : memref<16384xi32, #tpu.memory_space<vmem>>)
    %dma_wait3A_220 = arith.constant 0 : i32
    %dma_wait3A_221 = tpu.memref_slice %arg10[%dma_wait3A_220] : memref<12288xf32, #tpu.memory_space<vmem>> -> memref<4096xf32, #tpu.memory_space<vmem>>
    %dma_wait3A_222 = arith.constant 8192 : i32
    %dma_wait3A_223 = tpu.memref_slice %arg6[%add3A_101, %dma_wait3A_222] : memref<64x16384xf32, #tpu.memory_space<hbm>> -> memref<1x4096xf32, #tpu.memory_space<hbm>>
    %dma_wait3A_224 = tpu.memref_squeeze %dma_wait3A_223 : memref<1x4096xf32, #tpu.memory_space<hbm>> -> memref<4096xf32, #tpu.memory_space<hbm>>
    %dma_wait3A_225 = arith.constant 8192 : i32
    %dma_wait3A_226 = tpu.memref_slice %arg6[%add3A_101, %dma_wait3A_225] : memref<64x16384xf32, #tpu.memory_space<hbm>> -> memref<1x4096xf32, #tpu.memory_space<hbm>>
    %dma_wait3A_227 = tpu.memref_squeeze %dma_wait3A_226 : memref<1x4096xf32, #tpu.memory_space<hbm>> -> memref<4096xf32, #tpu.memory_space<hbm>>
    %dma_wait3A_228 = arith.constant 0 : i32
    %dma_wait3A_229 = tpu.memref_slice %arg10[%dma_wait3A_228] : memref<12288xf32, #tpu.memory_space<vmem>> -> memref<4096xf32, #tpu.memory_space<vmem>>
    tpu.wait_dma2 semaphore(%arg12 : memref<!tpu.dma_semaphore, #tpu.memory_space<semaphore_mem>>) src(%dma_wait3A_229 : memref<4096xf32, #tpu.memory_space<vmem>>) dst(%dma_wait3A_227 : memref<4096xf32, #tpu.memory_space<hbm>>)
    %parallel_loop3A_230 = arith.constant 0 : i32
    %parallel_loop3A_231 = arith.constant 4096 : i32
    %parallel_loop3A_232 = arith.constant 16 : i32
    scf.for %parallel_loop3A_444 = %parallel_loop3A_230 to %parallel_loop3A_231 step %parallel_loop3A_232  : i32 {
      %parallel_loop3A_445 = arith.constant 0 : i32
      %parallel_loop3A_446 = arith.addi %parallel_loop3A_445, %parallel_loop3A_444 : i32
      %parallel_loop3A_447 = arith.index_cast %parallel_loop3A_446 : i32 to index
      %parallel_loop3A_448 = tpu.vector_load %arg9[%parallel_loop3A_447] {strides = array<i32>} : memref<16384xi32, #tpu.memory_space<vmem>>, vector<16xi32>,
      %parallel_loop3A_449 = tpu.vector_load_idx %arg8[%parallel_loop3A_448] : memref<100000xf32, #tpu.memory_space<vmem>>[vector<16xi32>], vector<16xf32>,
      %parallel_loop3A_450 = arith.constant 8192 : i32
      %parallel_loop3A_451 = arith.addi %parallel_loop3A_450, %parallel_loop3A_444 : i32
      %parallel_loop3A_452 = arith.index_cast %parallel_loop3A_451 : i32 to index
      %parallel_loop3A_453 = tpu.vector_load %arg10[%parallel_loop3A_452] {strides = array<i32>} : memref<12288xf32, #tpu.memory_space<vmem>>, vector<16xf32>,
      tpu.vector_store %arg10[%parallel_loop3A_452], %parallel_loop3A_449 {strides = array<i32>} : memref<12288xf32, #tpu.memory_space<vmem>>, vector<16xf32>,
    } {sc.loop_unroll_factor = 8 : i64, sc.parallel_access}
    %dma_start3A_233 = arith.constant 8192 : i32
    %dma_start3A_234 = tpu.memref_slice %arg10[%dma_start3A_233] : memref<12288xf32, #tpu.memory_space<vmem>> -> memref<4096xf32, #tpu.memory_space<vmem>>
    %dma_start3A_235 = arith.constant 0 : i32
    %dma_start3A_236 = tpu.memref_slice %arg7[%add3A_213, %dma_start3A_235] : memref<64x16384xf32, #tpu.memory_space<hbm>> -> memref<1x4096xf32, #tpu.memory_space<hbm>>
    %dma_start3A_237 = tpu.memref_squeeze %dma_start3A_236 : memref<1x4096xf32, #tpu.memory_space<hbm>> -> memref<4096xf32, #tpu.memory_space<hbm>>
    %dma_start3A_238 = arith.constant 0 : i32
    %dma_start3A_239 = tpu.memref_slice %arg7[%add3A_213, %dma_start3A_238] : memref<64x16384xf32, #tpu.memory_space<hbm>> -> memref<1x4096xf32, #tpu.memory_space<hbm>>
    %dma_start3A_240 = tpu.memref_squeeze %dma_start3A_239 : memref<1x4096xf32, #tpu.memory_space<hbm>> -> memref<4096xf32, #tpu.memory_space<hbm>>
    %dma_start3A_241 = arith.constant 8192 : i32
    %dma_start3A_242 = tpu.memref_slice %arg10[%dma_start3A_241] : memref<12288xf32, #tpu.memory_space<vmem>> -> memref<4096xf32, #tpu.memory_space<vmem>>
    tpu.enqueue_dma source(%dma_start3A_242 : memref<4096xf32, #tpu.memory_space<vmem>>) target(%dma_start3A_240 : memref<4096xf32, #tpu.memory_space<hbm>>) target_semaphore(%arg12 : memref<!tpu.dma_semaphore, #tpu.memory_space<semaphore_mem>>)
    %dma_wait3A_243 = arith.constant 4096 : i32
    %dma_wait3A_244 = tpu.memref_slice %arg10[%dma_wait3A_243] : memref<12288xf32, #tpu.memory_space<vmem>> -> memref<4096xf32, #tpu.memory_space<vmem>>
    %dma_wait3A_245 = arith.constant 12288 : i32
    %dma_wait3A_246 = tpu.memref_slice %arg6[%add3A_101, %dma_wait3A_245] : memref<64x16384xf32, #tpu.memory_space<hbm>> -> memref<1x4096xf32, #tpu.memory_space<hbm>>
    %dma_wait3A_247 = tpu.memref_squeeze %dma_wait3A_246 : memref<1x4096xf32, #tpu.memory_space<hbm>> -> memref<4096xf32, #tpu.memory_space<hbm>>
    %dma_wait3A_248 = arith.constant 12288 : i32
    %dma_wait3A_249 = tpu.memref_slice %arg6[%add3A_101, %dma_wait3A_248] : memref<64x16384xf32, #tpu.memory_space<hbm>> -> memref<1x4096xf32, #tpu.memory_space<hbm>>
    %dma_wait3A_250 = tpu.memref_squeeze %dma_wait3A_249 : memref<1x4096xf32, #tpu.memory_space<hbm>> -> memref<4096xf32, #tpu.memory_space<hbm>>
    %dma_wait3A_251 = arith.constant 4096 : i32
    %dma_wait3A_252 = tpu.memref_slice %arg10[%dma_wait3A_251] : memref<12288xf32, #tpu.memory_space<vmem>> -> memref<4096xf32, #tpu.memory_space<vmem>>
    tpu.wait_dma2 semaphore(%arg12 : memref<!tpu.dma_semaphore, #tpu.memory_space<semaphore_mem>>) src(%dma_wait3A_252 : memref<4096xf32, #tpu.memory_space<vmem>>) dst(%dma_wait3A_250 : memref<4096xf32, #tpu.memory_space<hbm>>)
    %parallel_loop3A_253 = arith.constant 0 : i32
    %parallel_loop3A_254 = arith.constant 4096 : i32
    %parallel_loop3A_255 = arith.constant 16 : i32
    scf.for %parallel_loop3A_444 = %parallel_loop3A_253 to %parallel_loop3A_254 step %parallel_loop3A_255  : i32 {
      %parallel_loop3A_445 = arith.constant 4096 : i32
      %parallel_loop3A_446 = arith.addi %parallel_loop3A_445, %parallel_loop3A_444 : i32
      %parallel_loop3A_447 = arith.index_cast %parallel_loop3A_446 : i32 to index
      %parallel_loop3A_448 = tpu.vector_load %arg9[%parallel_loop3A_447] {strides = array<i32>} : memref<16384xi32, #tpu.memory_space<vmem>>, vector<16xi32>,
      %parallel_loop3A_449 = tpu.vector_load_idx %arg8[%parallel_loop3A_448] : memref<100000xf32, #tpu.memory_space<vmem>>[vector<16xi32>], vector<16xf32>,
      %parallel_loop3A_450 = arith.constant 0 : i32
      %parallel_loop3A_451 = arith.addi %parallel_loop3A_450, %parallel_loop3A_444 : i32
      %parallel_loop3A_452 = arith.index_cast %parallel_loop3A_451 : i32 to index
      %parallel_loop3A_453 = tpu.vector_load %arg10[%parallel_loop3A_452] {strides = array<i32>} : memref<12288xf32, #tpu.memory_space<vmem>>, vector<16xf32>,
      tpu.vector_store %arg10[%parallel_loop3A_452], %parallel_loop3A_449 {strides = array<i32>} : memref<12288xf32, #tpu.memory_space<vmem>>, vector<16xf32>,
    } {sc.loop_unroll_factor = 8 : i64, sc.parallel_access}
    %dma_start3A_256 = arith.constant 0 : i32
    %dma_start3A_257 = tpu.memref_slice %arg10[%dma_start3A_256] : memref<12288xf32, #tpu.memory_space<vmem>> -> memref<4096xf32, #tpu.memory_space<vmem>>
    %dma_start3A_258 = arith.constant 4096 : i32
    %dma_start3A_259 = tpu.memref_slice %arg7[%add3A_213, %dma_start3A_258] : memref<64x16384xf32, #tpu.memory_space<hbm>> -> memref<1x4096xf32, #tpu.memory_space<hbm>>
    %dma_start3A_260 = tpu.memref_squeeze %dma_start3A_259 : memref<1x4096xf32, #tpu.memory_space<hbm>> -> memref<4096xf32, #tpu.memory_space<hbm>>
    %dma_start3A_261 = arith.constant 4096 : i32
    %dma_start3A_262 = tpu.memref_slice %arg7[%add3A_213, %dma_start3A_261] : memref<64x16384xf32, #tpu.memory_space<hbm>> -> memref<1x4096xf32, #tpu.memory_space<hbm>>
    %dma_start3A_263 = tpu.memref_squeeze %dma_start3A_262 : memref<1x4096xf32, #tpu.memory_space<hbm>> -> memref<4096xf32, #tpu.memory_space<hbm>>
    %dma_start3A_264 = arith.constant 0 : i32
    %dma_start3A_265 = tpu.memref_slice %arg10[%dma_start3A_264] : memref<12288xf32, #tpu.memory_space<vmem>> -> memref<4096xf32, #tpu.memory_space<vmem>>
    tpu.enqueue_dma source(%dma_start3A_265 : memref<4096xf32, #tpu.memory_space<vmem>>) target(%dma_start3A_263 : memref<4096xf32, #tpu.memory_space<hbm>>) target_semaphore(%arg12 : memref<!tpu.dma_semaphore, #tpu.memory_space<semaphore_mem>>)
    %dma_wait3A_266 = arith.constant 8192 : i32
    %dma_wait3A_267 = tpu.memref_slice %arg10[%dma_wait3A_266] : memref<12288xf32, #tpu.memory_space<vmem>> -> memref<4096xf32, #tpu.memory_space<vmem>>
    %dma_wait3A_268 = arith.constant 0 : i32
    %dma_wait3A_269 = tpu.memref_slice %arg7[%add3A_213, %dma_wait3A_268] : memref<64x16384xf32, #tpu.memory_space<hbm>> -> memref<1x4096xf32, #tpu.memory_space<hbm>>
    %dma_wait3A_270 = tpu.memref_squeeze %dma_wait3A_269 : memref<1x4096xf32, #tpu.memory_space<hbm>> -> memref<4096xf32, #tpu.memory_space<hbm>>
    %dma_wait3A_271 = arith.constant 0 : i32
    %dma_wait3A_272 = tpu.memref_slice %arg7[%add3A_213, %dma_wait3A_271] : memref<64x16384xf32, #tpu.memory_space<hbm>> -> memref<1x4096xf32, #tpu.memory_space<hbm>>
    %dma_wait3A_273 = tpu.memref_squeeze %dma_wait3A_272 : memref<1x4096xf32, #tpu.memory_space<hbm>> -> memref<4096xf32, #tpu.memory_space<hbm>>
    %dma_wait3A_274 = arith.constant 8192 : i32
    %dma_wait3A_275 = tpu.memref_slice %arg10[%dma_wait3A_274] : memref<12288xf32, #tpu.memory_space<vmem>> -> memref<4096xf32, #tpu.memory_space<vmem>>
    tpu.wait_dma2 semaphore(%arg12 : memref<!tpu.dma_semaphore, #tpu.memory_space<semaphore_mem>>) src(%dma_wait3A_275 : memref<4096xf32, #tpu.memory_space<vmem>>) dst(%dma_wait3A_273 : memref<4096xf32, #tpu.memory_space<hbm>>)
    %parallel_loop3A_276 = arith.constant 0 : i32
    %parallel_loop3A_277 = arith.constant 4096 : i32
    %parallel_loop3A_278 = arith.constant 16 : i32
    scf.for %parallel_loop3A_444 = %parallel_loop3A_276 to %parallel_loop3A_277 step %parallel_loop3A_278  : i32 {
      %parallel_loop3A_445 = arith.constant 8192 : i32
      %parallel_loop3A_446 = arith.addi %parallel_loop3A_445, %parallel_loop3A_444 : i32
      %parallel_loop3A_447 = arith.index_cast %parallel_loop3A_446 : i32 to index
      %parallel_loop3A_448 = tpu.vector_load %arg9[%parallel_loop3A_447] {strides = array<i32>} : memref<16384xi32, #tpu.memory_space<vmem>>, vector<16xi32>,
      %parallel_loop3A_449 = tpu.vector_load_idx %arg8[%parallel_loop3A_448] : memref<100000xf32, #tpu.memory_space<vmem>>[vector<16xi32>], vector<16xf32>,
      %parallel_loop3A_450 = arith.constant 4096 : i32
      %parallel_loop3A_451 = arith.addi %parallel_loop3A_450, %parallel_loop3A_444 : i32
      %parallel_loop3A_452 = arith.index_cast %parallel_loop3A_451 : i32 to index
      %parallel_loop3A_453 = tpu.vector_load %arg10[%parallel_loop3A_452] {strides = array<i32>} : memref<12288xf32, #tpu.memory_space<vmem>>, vector<16xf32>,
      tpu.vector_store %arg10[%parallel_loop3A_452], %parallel_loop3A_449 {strides = array<i32>} : memref<12288xf32, #tpu.memory_space<vmem>>, vector<16xf32>,
    } {sc.loop_unroll_factor = 8 : i64, sc.parallel_access}
    %dma_start3A_279 = arith.constant 4096 : i32
    %dma_start3A_280 = tpu.memref_slice %arg10[%dma_start3A_279] : memref<12288xf32, #tpu.memory_space<vmem>> -> memref<4096xf32, #tpu.memory_space<vmem>>
    %dma_start3A_281 = arith.constant 8192 : i32
    %dma_start3A_282 = tpu.memref_slice %arg7[%add3A_213, %dma_start3A_281] : memref<64x16384xf32, #tpu.memory_space<hbm>> -> memref<1x4096xf32, #tpu.memory_space<hbm>>
    %dma_start3A_283 = tpu.memref_squeeze %dma_start3A_282 : memref<1x4096xf32, #tpu.memory_space<hbm>> -> memref<4096xf32, #tpu.memory_space<hbm>>
    %dma_start3A_284 = arith.constant 8192 : i32
    %dma_start3A_285 = tpu.memref_slice %arg7[%add3A_213, %dma_start3A_284] : memref<64x16384xf32, #tpu.memory_space<hbm>> -> memref<1x4096xf32, #tpu.memory_space<hbm>>
    %dma_start3A_286 = tpu.memref_squeeze %dma_start3A_285 : memref<1x4096xf32, #tpu.memory_space<hbm>> -> memref<4096xf32, #tpu.memory_space<hbm>>
    %dma_start3A_287 = arith.constant 4096 : i32
    %dma_start3A_288 = tpu.memref_slice %arg10[%dma_start3A_287] : memref<12288xf32, #tpu.memory_space<vmem>> -> memref<4096xf32, #tpu.memory_space<vmem>>
    tpu.enqueue_dma source(%dma_start3A_288 : memref<4096xf32, #tpu.memory_space<vmem>>) target(%dma_start3A_286 : memref<4096xf32, #tpu.memory_space<hbm>>) target_semaphore(%arg12 : memref<!tpu.dma_semaphore, #tpu.memory_space<semaphore_mem>>)
    %dma_wait3A_289 = arith.constant 0 : i32
    %dma_wait3A_290 = tpu.memref_slice %arg10[%dma_wait3A_289] : memref<12288xf32, #tpu.memory_space<vmem>> -> memref<4096xf32, #tpu.memory_space<vmem>>
    %dma_wait3A_291 = arith.constant 4096 : i32
    %dma_wait3A_292 = tpu.memref_slice %arg7[%add3A_213, %dma_wait3A_291] : memref<64x16384xf32, #tpu.memory_space<hbm>> -> memref<1x4096xf32, #tpu.memory_space<hbm>>
    %dma_wait3A_293 = tpu.memref_squeeze %dma_wait3A_292 : memref<1x4096xf32, #tpu.memory_space<hbm>> -> memref<4096xf32, #tpu.memory_space<hbm>>
    %dma_wait3A_294 = arith.constant 4096 : i32
    %dma_wait3A_295 = tpu.memref_slice %arg7[%add3A_213, %dma_wait3A_294] : memref<64x16384xf32, #tpu.memory_space<hbm>> -> memref<1x4096xf32, #tpu.memory_space<hbm>>
    %dma_wait3A_296 = tpu.memref_squeeze %dma_wait3A_295 : memref<1x4096xf32, #tpu.memory_space<hbm>> -> memref<4096xf32, #tpu.memory_space<hbm>>
    %dma_wait3A_297 = arith.constant 0 : i32
    %dma_wait3A_298 = tpu.memref_slice %arg10[%dma_wait3A_297] : memref<12288xf32, #tpu.memory_space<vmem>> -> memref<4096xf32, #tpu.memory_space<vmem>>
    tpu.wait_dma2 semaphore(%arg12 : memref<!tpu.dma_semaphore, #tpu.memory_space<semaphore_mem>>) src(%dma_wait3A_298 : memref<4096xf32, #tpu.memory_space<vmem>>) dst(%dma_wait3A_296 : memref<4096xf32, #tpu.memory_space<hbm>>)
    %parallel_loop3A_299 = arith.constant 0 : i32
    %parallel_loop3A_300 = arith.constant 4096 : i32
    %parallel_loop3A_301 = arith.constant 16 : i32
    scf.for %parallel_loop3A_444 = %parallel_loop3A_299 to %parallel_loop3A_300 step %parallel_loop3A_301  : i32 {
      %parallel_loop3A_445 = arith.constant 12288 : i32
      %parallel_loop3A_446 = arith.addi %parallel_loop3A_445, %parallel_loop3A_444 : i32
      %parallel_loop3A_447 = arith.index_cast %parallel_loop3A_446 : i32 to index
      %parallel_loop3A_448 = tpu.vector_load %arg9[%parallel_loop3A_447] {strides = array<i32>} : memref<16384xi32, #tpu.memory_space<vmem>>, vector<16xi32>,
      %parallel_loop3A_449 = tpu.vector_load_idx %arg8[%parallel_loop3A_448] : memref<100000xf32, #tpu.memory_space<vmem>>[vector<16xi32>], vector<16xf32>,
      %parallel_loop3A_450 = arith.constant 8192 : i32
      %parallel_loop3A_451 = arith.addi %parallel_loop3A_450, %parallel_loop3A_444 : i32
      %parallel_loop3A_452 = arith.index_cast %parallel_loop3A_451 : i32 to index
      %parallel_loop3A_453 = tpu.vector_load %arg10[%parallel_loop3A_452] {strides = array<i32>} : memref<12288xf32, #tpu.memory_space<vmem>>, vector<16xf32>,
      tpu.vector_store %arg10[%parallel_loop3A_452], %parallel_loop3A_449 {strides = array<i32>} : memref<12288xf32, #tpu.memory_space<vmem>>, vector<16xf32>,
    } {sc.loop_unroll_factor = 8 : i64, sc.parallel_access}
    %mul3A_302 = arith.constant 2 : i32
    %mul3A_303 = arith.muli %add3A, %mul3A_302 : i32
    %add3A_304 = arith.constant 1 : i32
    %add3A_305 = arith.addi %mul3A_303, %add3A_304 : i32
    %dma_start3A_306 = arith.constant 0 : i32
    %dma_start3A_307 = tpu.memref_slice %arg5[%add3A_305, %dma_start3A_306] : memref<64x100000xf32, #tpu.memory_space<hbm>> -> memref<1x100000xf32, #tpu.memory_space<hbm>>
    %dma_start3A_308 = tpu.memref_squeeze %dma_start3A_307 : memref<1x100000xf32, #tpu.memory_space<hbm>> -> memref<100000xf32, #tpu.memory_space<hbm>>
    %dma_start3A_309 = arith.constant 0 : i32
    %dma_start3A_310 = tpu.memref_slice %arg5[%add3A_305, %dma_start3A_309] : memref<64x100000xf32, #tpu.memory_space<hbm>> -> memref<1x100000xf32, #tpu.memory_space<hbm>>
    %dma_start3A_311 = tpu.memref_squeeze %dma_start3A_310 : memref<1x100000xf32, #tpu.memory_space<hbm>> -> memref<100000xf32, #tpu.memory_space<hbm>>
    tpu.enqueue_dma source(%dma_start3A_311 : memref<100000xf32, #tpu.memory_space<hbm>>) target(%arg8 : memref<100000xf32, #tpu.memory_space<vmem>>) target_semaphore(%arg11 : memref<!tpu.dma_semaphore, #tpu.memory_space<semaphore_mem>>)
    %dma_start3A_312 = arith.constant 8192 : i32
    %dma_start3A_313 = tpu.memref_slice %arg10[%dma_start3A_312] : memref<12288xf32, #tpu.memory_space<vmem>> -> memref<4096xf32, #tpu.memory_space<vmem>>
    %dma_start3A_314 = arith.constant 12288 : i32
    %dma_start3A_315 = tpu.memref_slice %arg7[%add3A_213, %dma_start3A_314] : memref<64x16384xf32, #tpu.memory_space<hbm>> -> memref<1x4096xf32, #tpu.memory_space<hbm>>
    %dma_start3A_316 = tpu.memref_squeeze %dma_start3A_315 : memref<1x4096xf32, #tpu.memory_space<hbm>> -> memref<4096xf32, #tpu.memory_space<hbm>>
    %dma_start3A_317 = arith.constant 12288 : i32
    %dma_start3A_318 = tpu.memref_slice %arg7[%add3A_213, %dma_start3A_317] : memref<64x16384xf32, #tpu.memory_space<hbm>> -> memref<1x4096xf32, #tpu.memory_space<hbm>>
    %dma_start3A_319 = tpu.memref_squeeze %dma_start3A_318 : memref<1x4096xf32, #tpu.memory_space<hbm>> -> memref<4096xf32, #tpu.memory_space<hbm>>
    %dma_start3A_320 = arith.constant 8192 : i32
    %dma_start3A_321 = tpu.memref_slice %arg10[%dma_start3A_320] : memref<12288xf32, #tpu.memory_space<vmem>> -> memref<4096xf32, #tpu.memory_space<vmem>>
    tpu.enqueue_dma source(%dma_start3A_321 : memref<4096xf32, #tpu.memory_space<vmem>>) target(%dma_start3A_319 : memref<4096xf32, #tpu.memory_space<hbm>>) target_semaphore(%arg12 : memref<!tpu.dma_semaphore, #tpu.memory_space<semaphore_mem>>)
    %mul3A_322 = arith.constant 2 : i32
    %mul3A_323 = arith.muli %add3A, %mul3A_322 : i32
    %add3A_324 = arith.constant 1 : i32
    %add3A_325 = arith.addi %mul3A_323, %add3A_324 : i32
    %dma_wait3A_326 = arith.constant 0 : i32
    %dma_wait3A_327 = tpu.memref_slice %arg5[%add3A_305, %dma_wait3A_326] : memref<64x100000xf32, #tpu.memory_space<hbm>> -> memref<1x100000xf32, #tpu.memory_space<hbm>>
    %dma_wait3A_328 = tpu.memref_squeeze %dma_wait3A_327 : memref<1x100000xf32, #tpu.memory_space<hbm>> -> memref<100000xf32, #tpu.memory_space<hbm>>
    %dma_wait3A_329 = arith.constant 0 : i32
    %dma_wait3A_330 = tpu.memref_slice %arg5[%add3A_305, %dma_wait3A_329] : memref<64x100000xf32, #tpu.memory_space<hbm>> -> memref<1x100000xf32, #tpu.memory_space<hbm>>
    %dma_wait3A_331 = tpu.memref_squeeze %dma_wait3A_330 : memref<1x100000xf32, #tpu.memory_space<hbm>> -> memref<100000xf32, #tpu.memory_space<hbm>>
    tpu.wait_dma2 semaphore(%arg11 : memref<!tpu.dma_semaphore, #tpu.memory_space<semaphore_mem>>) src(%dma_wait3A_331 : memref<100000xf32, #tpu.memory_space<hbm>>) dst(%arg8 : memref<100000xf32, #tpu.memory_space<vmem>>)
    %dma_wait3A_332 = arith.constant 4096 : i32
    %dma_wait3A_333 = tpu.memref_slice %arg10[%dma_wait3A_332] : memref<12288xf32, #tpu.memory_space<vmem>> -> memref<4096xf32, #tpu.memory_space<vmem>>
    %dma_wait3A_334 = arith.constant 8192 : i32
    %dma_wait3A_335 = tpu.memref_slice %arg7[%add3A_213, %dma_wait3A_334] : memref<64x16384xf32, #tpu.memory_space<hbm>> -> memref<1x4096xf32, #tpu.memory_space<hbm>>
    %dma_wait3A_336 = tpu.memref_squeeze %dma_wait3A_335 : memref<1x4096xf32, #tpu.memory_space<hbm>> -> memref<4096xf32, #tpu.memory_space<hbm>>
    %dma_wait3A_337 = arith.constant 8192 : i32
    %dma_wait3A_338 = tpu.memref_slice %arg7[%add3A_213, %dma_wait3A_337] : memref<64x16384xf32, #tpu.memory_space<hbm>> -> memref<1x4096xf32, #tpu.memory_space<hbm>>
    %dma_wait3A_339 = tpu.memref_squeeze %dma_wait3A_338 : memref<1x4096xf32, #tpu.memory_space<hbm>> -> memref<4096xf32, #tpu.memory_space<hbm>>
    %dma_wait3A_340 = arith.constant 4096 : i32
    %dma_wait3A_341 = tpu.memref_slice %arg10[%dma_wait3A_340] : memref<12288xf32, #tpu.memory_space<vmem>> -> memref<4096xf32, #tpu.memory_space<vmem>>
    tpu.wait_dma2 semaphore(%arg12 : memref<!tpu.dma_semaphore, #tpu.memory_space<semaphore_mem>>) src(%dma_wait3A_341 : memref<4096xf32, #tpu.memory_space<vmem>>) dst(%dma_wait3A_339 : memref<4096xf32, #tpu.memory_space<hbm>>)
    %parallel_loop3A_342 = arith.constant 0 : i32
    %parallel_loop3A_343 = arith.constant 4096 : i32
    %parallel_loop3A_344 = arith.constant 16 : i32
    scf.for %parallel_loop3A_444 = %parallel_loop3A_342 to %parallel_loop3A_343 step %parallel_loop3A_344  : i32 {
      %parallel_loop3A_445 = arith.constant 0 : i32
      %parallel_loop3A_446 = arith.addi %parallel_loop3A_445, %parallel_loop3A_444 : i32
      %parallel_loop3A_447 = arith.index_cast %parallel_loop3A_446 : i32 to index
      %parallel_loop3A_448 = tpu.vector_load %arg9[%parallel_loop3A_447] {strides = array<i32>} : memref<16384xi32, #tpu.memory_space<vmem>>, vector<16xi32>,
      %parallel_loop3A_449 = tpu.vector_load_idx %arg8[%parallel_loop3A_448] : memref<100000xf32, #tpu.memory_space<vmem>>[vector<16xi32>], vector<16xf32>,
      %parallel_loop3A_450 = arith.constant 0 : i32
      %parallel_loop3A_451 = arith.addi %parallel_loop3A_450, %parallel_loop3A_444 : i32
      %parallel_loop3A_452 = arith.index_cast %parallel_loop3A_451 : i32 to index
      %parallel_loop3A_453 = tpu.vector_load %arg10[%parallel_loop3A_452] {strides = array<i32>} : memref<12288xf32, #tpu.memory_space<vmem>>, vector<16xf32>,
      tpu.vector_store %arg10[%parallel_loop3A_452], %parallel_loop3A_449 {strides = array<i32>} : memref<12288xf32, #tpu.memory_space<vmem>>, vector<16xf32>,
    } {sc.loop_unroll_factor = 8 : i64, sc.parallel_access}
    %dma_start3A_345 = arith.constant 0 : i32
    %dma_start3A_346 = tpu.memref_slice %arg10[%dma_start3A_345] : memref<12288xf32, #tpu.memory_space<vmem>> -> memref<4096xf32, #tpu.memory_space<vmem>>
    %dma_start3A_347 = arith.constant 0 : i32
    %dma_start3A_348 = tpu.memref_slice %arg7[%add3A_325, %dma_start3A_347] : memref<64x16384xf32, #tpu.memory_space<hbm>> -> memref<1x4096xf32, #tpu.memory_space<hbm>>
    %dma_start3A_349 = tpu.memref_squeeze %dma_start3A_348 : memref<1x4096xf32, #tpu.memory_space<hbm>> -> memref<4096xf32, #tpu.memory_space<hbm>>
    %dma_start3A_350 = arith.constant 0 : i32
    %dma_start3A_351 = tpu.memref_slice %arg7[%add3A_325, %dma_start3A_350] : memref<64x16384xf32, #tpu.memory_space<hbm>> -> memref<1x4096xf32, #tpu.memory_space<hbm>>
    %dma_start3A_352 = tpu.memref_squeeze %dma_start3A_351 : memref<1x4096xf32, #tpu.memory_space<hbm>> -> memref<4096xf32, #tpu.memory_space<hbm>>
    %dma_start3A_353 = arith.constant 0 : i32
    %dma_start3A_354 = tpu.memref_slice %arg10[%dma_start3A_353] : memref<12288xf32, #tpu.memory_space<vmem>> -> memref<4096xf32, #tpu.memory_space<vmem>>
    tpu.enqueue_dma source(%dma_start3A_354 : memref<4096xf32, #tpu.memory_space<vmem>>) target(%dma_start3A_352 : memref<4096xf32, #tpu.memory_space<hbm>>) target_semaphore(%arg12 : memref<!tpu.dma_semaphore, #tpu.memory_space<semaphore_mem>>)
    %dma_wait3A_355 = arith.constant 8192 : i32
    %dma_wait3A_356 = tpu.memref_slice %arg10[%dma_wait3A_355] : memref<12288xf32, #tpu.memory_space<vmem>> -> memref<4096xf32, #tpu.memory_space<vmem>>
    %dma_wait3A_357 = arith.constant 12288 : i32
    %dma_wait3A_358 = tpu.memref_slice %arg7[%add3A_213, %dma_wait3A_357] : memref<64x16384xf32, #tpu.memory_space<hbm>> -> memref<1x4096xf32, #tpu.memory_space<hbm>>
    %dma_wait3A_359 = tpu.memref_squeeze %dma_wait3A_358 : memref<1x4096xf32, #tpu.memory_space<hbm>> -> memref<4096xf32, #tpu.memory_space<hbm>>
    %dma_wait3A_360 = arith.constant 12288 : i32
    %dma_wait3A_361 = tpu.memref_slice %arg7[%add3A_213, %dma_wait3A_360] : memref<64x16384xf32, #tpu.memory_space<hbm>> -> memref<1x4096xf32, #tpu.memory_space<hbm>>
    %dma_wait3A_362 = tpu.memref_squeeze %dma_wait3A_361 : memref<1x4096xf32, #tpu.memory_space<hbm>> -> memref<4096xf32, #tpu.memory_space<hbm>>
    %dma_wait3A_363 = arith.constant 8192 : i32
    %dma_wait3A_364 = tpu.memref_slice %arg10[%dma_wait3A_363] : memref<12288xf32, #tpu.memory_space<vmem>> -> memref<4096xf32, #tpu.memory_space<vmem>>
    tpu.wait_dma2 semaphore(%arg12 : memref<!tpu.dma_semaphore, #tpu.memory_space<semaphore_mem>>) src(%dma_wait3A_364 : memref<4096xf32, #tpu.memory_space<vmem>>) dst(%dma_wait3A_362 : memref<4096xf32, #tpu.memory_space<hbm>>)
    %parallel_loop3A_365 = arith.constant 0 : i32
    %parallel_loop3A_366 = arith.constant 4096 : i32
    %parallel_loop3A_367 = arith.constant 16 : i32
    scf.for %parallel_loop3A_444 = %parallel_loop3A_365 to %parallel_loop3A_366 step %parallel_loop3A_367  : i32 {
      %parallel_loop3A_445 = arith.constant 4096 : i32
      %parallel_loop3A_446 = arith.addi %parallel_loop3A_445, %parallel_loop3A_444 : i32
      %parallel_loop3A_447 = arith.index_cast %parallel_loop3A_446 : i32 to index
      %parallel_loop3A_448 = tpu.vector_load %arg9[%parallel_loop3A_447] {strides = array<i32>} : memref<16384xi32, #tpu.memory_space<vmem>>, vector<16xi32>,
      %parallel_loop3A_449 = tpu.vector_load_idx %arg8[%parallel_loop3A_448] : memref<100000xf32, #tpu.memory_space<vmem>>[vector<16xi32>], vector<16xf32>,
      %parallel_loop3A_450 = arith.constant 4096 : i32
      %parallel_loop3A_451 = arith.addi %parallel_loop3A_450, %parallel_loop3A_444 : i32
      %parallel_loop3A_452 = arith.index_cast %parallel_loop3A_451 : i32 to index
      %parallel_loop3A_453 = tpu.vector_load %arg10[%parallel_loop3A_452] {strides = array<i32>} : memref<12288xf32, #tpu.memory_space<vmem>>, vector<16xf32>,
      tpu.vector_store %arg10[%parallel_loop3A_452], %parallel_loop3A_449 {strides = array<i32>} : memref<12288xf32, #tpu.memory_space<vmem>>, vector<16xf32>,
    } {sc.loop_unroll_factor = 8 : i64, sc.parallel_access}
    %dma_start3A_368 = arith.constant 4096 : i32
    %dma_start3A_369 = tpu.memref_slice %arg10[%dma_start3A_368] : memref<12288xf32, #tpu.memory_space<vmem>> -> memref<4096xf32, #tpu.memory_space<vmem>>
    %dma_start3A_370 = arith.constant 4096 : i32
    %dma_start3A_371 = tpu.memref_slice %arg7[%add3A_325, %dma_start3A_370] : memref<64x16384xf32, #tpu.memory_space<hbm>> -> memref<1x4096xf32, #tpu.memory_space<hbm>>
    %dma_start3A_372 = tpu.memref_squeeze %dma_start3A_371 : memref<1x4096xf32, #tpu.memory_space<hbm>> -> memref<4096xf32, #tpu.memory_space<hbm>>
    %dma_start3A_373 = arith.constant 4096 : i32
    %dma_start3A_374 = tpu.memref_slice %arg7[%add3A_325, %dma_start3A_373] : memref<64x16384xf32, #tpu.memory_space<hbm>> -> memref<1x4096xf32, #tpu.memory_space<hbm>>
    %dma_start3A_375 = tpu.memref_squeeze %dma_start3A_374 : memref<1x4096xf32, #tpu.memory_space<hbm>> -> memref<4096xf32, #tpu.memory_space<hbm>>
    %dma_start3A_376 = arith.constant 4096 : i32
    %dma_start3A_377 = tpu.memref_slice %arg10[%dma_start3A_376] : memref<12288xf32, #tpu.memory_space<vmem>> -> memref<4096xf32, #tpu.memory_space<vmem>>
    tpu.enqueue_dma source(%dma_start3A_377 : memref<4096xf32, #tpu.memory_space<vmem>>) target(%dma_start3A_375 : memref<4096xf32, #tpu.memory_space<hbm>>) target_semaphore(%arg12 : memref<!tpu.dma_semaphore, #tpu.memory_space<semaphore_mem>>)
    %dma_wait3A_378 = arith.constant 0 : i32
    %dma_wait3A_379 = tpu.memref_slice %arg10[%dma_wait3A_378] : memref<12288xf32, #tpu.memory_space<vmem>> -> memref<4096xf32, #tpu.memory_space<vmem>>
    %dma_wait3A_380 = arith.constant 0 : i32
    %dma_wait3A_381 = tpu.memref_slice %arg7[%add3A_325, %dma_wait3A_380] : memref<64x16384xf32, #tpu.memory_space<hbm>> -> memref<1x4096xf32, #tpu.memory_space<hbm>>
    %dma_wait3A_382 = tpu.memref_squeeze %dma_wait3A_381 : memref<1x4096xf32, #tpu.memory_space<hbm>> -> memref<4096xf32, #tpu.memory_space<hbm>>
    %dma_wait3A_383 = arith.constant 0 : i32
    %dma_wait3A_384 = tpu.memref_slice %arg7[%add3A_325, %dma_wait3A_383] : memref<64x16384xf32, #tpu.memory_space<hbm>> -> memref<1x4096xf32, #tpu.memory_space<hbm>>
    %dma_wait3A_385 = tpu.memref_squeeze %dma_wait3A_384 : memref<1x4096xf32, #tpu.memory_space<hbm>> -> memref<4096xf32, #tpu.memory_space<hbm>>
    %dma_wait3A_386 = arith.constant 0 : i32
    %dma_wait3A_387 = tpu.memref_slice %arg10[%dma_wait3A_386] : memref<12288xf32, #tpu.memory_space<vmem>> -> memref<4096xf32, #tpu.memory_space<vmem>>
    tpu.wait_dma2 semaphore(%arg12 : memref<!tpu.dma_semaphore, #tpu.memory_space<semaphore_mem>>) src(%dma_wait3A_387 : memref<4096xf32, #tpu.memory_space<vmem>>) dst(%dma_wait3A_385 : memref<4096xf32, #tpu.memory_space<hbm>>)
    %parallel_loop3A_388 = arith.constant 0 : i32
    %parallel_loop3A_389 = arith.constant 4096 : i32
    %parallel_loop3A_390 = arith.constant 16 : i32
    scf.for %parallel_loop3A_444 = %parallel_loop3A_388 to %parallel_loop3A_389 step %parallel_loop3A_390  : i32 {
      %parallel_loop3A_445 = arith.constant 8192 : i32
      %parallel_loop3A_446 = arith.addi %parallel_loop3A_445, %parallel_loop3A_444 : i32
      %parallel_loop3A_447 = arith.index_cast %parallel_loop3A_446 : i32 to index
      %parallel_loop3A_448 = tpu.vector_load %arg9[%parallel_loop3A_447] {strides = array<i32>} : memref<16384xi32, #tpu.memory_space<vmem>>, vector<16xi32>,
      %parallel_loop3A_449 = tpu.vector_load_idx %arg8[%parallel_loop3A_448] : memref<100000xf32, #tpu.memory_space<vmem>>[vector<16xi32>], vector<16xf32>,
      %parallel_loop3A_450 = arith.constant 8192 : i32
      %parallel_loop3A_451 = arith.addi %parallel_loop3A_450, %parallel_loop3A_444 : i32
      %parallel_loop3A_452 = arith.index_cast %parallel_loop3A_451 : i32 to index
      %parallel_loop3A_453 = tpu.vector_load %arg10[%parallel_loop3A_452] {strides = array<i32>} : memref<12288xf32, #tpu.memory_space<vmem>>, vector<16xf32>,
      tpu.vector_store %arg10[%parallel_loop3A_452], %parallel_loop3A_449 {strides = array<i32>} : memref<12288xf32, #tpu.memory_space<vmem>>, vector<16xf32>,
    } {sc.loop_unroll_factor = 8 : i64, sc.parallel_access}
    %dma_start3A_391 = arith.constant 8192 : i32
    %dma_start3A_392 = tpu.memref_slice %arg10[%dma_start3A_391] : memref<12288xf32, #tpu.memory_space<vmem>> -> memref<4096xf32, #tpu.memory_space<vmem>>
    %dma_start3A_393 = arith.constant 8192 : i32
    %dma_start3A_394 = tpu.memref_slice %arg7[%add3A_325, %dma_start3A_393] : memref<64x16384xf32, #tpu.memory_space<hbm>> -> memref<1x4096xf32, #tpu.memory_space<hbm>>
    %dma_start3A_395 = tpu.memref_squeeze %dma_start3A_394 : memref<1x4096xf32, #tpu.memory_space<hbm>> -> memref<4096xf32, #tpu.memory_space<hbm>>
    %dma_start3A_396 = arith.constant 8192 : i32
    %dma_start3A_397 = tpu.memref_slice %arg7[%add3A_325, %dma_start3A_396] : memref<64x16384xf32, #tpu.memory_space<hbm>> -> memref<1x4096xf32, #tpu.memory_space<hbm>>
    %dma_start3A_398 = tpu.memref_squeeze %dma_start3A_397 : memref<1x4096xf32, #tpu.memory_space<hbm>> -> memref<4096xf32, #tpu.memory_space<hbm>>
    %dma_start3A_399 = arith.constant 8192 : i32
    %dma_start3A_400 = tpu.memref_slice %arg10[%dma_start3A_399] : memref<12288xf32, #tpu.memory_space<vmem>> -> memref<4096xf32, #tpu.memory_space<vmem>>
    tpu.enqueue_dma source(%dma_start3A_400 : memref<4096xf32, #tpu.memory_space<vmem>>) target(%dma_start3A_398 : memref<4096xf32, #tpu.memory_space<hbm>>) target_semaphore(%arg12 : memref<!tpu.dma_semaphore, #tpu.memory_space<semaphore_mem>>)
    %dma_wait3A_401 = arith.constant 4096 : i32
    %dma_wait3A_402 = tpu.memref_slice %arg10[%dma_wait3A_401] : memref<12288xf32, #tpu.memory_space<vmem>> -> memref<4096xf32, #tpu.memory_space<vmem>>
    %dma_wait3A_403 = arith.constant 4096 : i32
    %dma_wait3A_404 = tpu.memref_slice %arg7[%add3A_325, %dma_wait3A_403] : memref<64x16384xf32, #tpu.memory_space<hbm>> -> memref<1x4096xf32, #tpu.memory_space<hbm>>
    %dma_wait3A_405 = tpu.memref_squeeze %dma_wait3A_404 : memref<1x4096xf32, #tpu.memory_space<hbm>> -> memref<4096xf32, #tpu.memory_space<hbm>>
    %dma_wait3A_406 = arith.constant 4096 : i32
    %dma_wait3A_407 = tpu.memref_slice %arg7[%add3A_325, %dma_wait3A_406] : memref<64x16384xf32, #tpu.memory_space<hbm>> -> memref<1x4096xf32, #tpu.memory_space<hbm>>
    %dma_wait3A_408 = tpu.memref_squeeze %dma_wait3A_407 : memref<1x4096xf32, #tpu.memory_space<hbm>> -> memref<4096xf32, #tpu.memory_space<hbm>>
    %dma_wait3A_409 = arith.constant 4096 : i32
    %dma_wait3A_410 = tpu.memref_slice %arg10[%dma_wait3A_409] : memref<12288xf32, #tpu.memory_space<vmem>> -> memref<4096xf32, #tpu.memory_space<vmem>>
    tpu.wait_dma2 semaphore(%arg12 : memref<!tpu.dma_semaphore, #tpu.memory_space<semaphore_mem>>) src(%dma_wait3A_410 : memref<4096xf32, #tpu.memory_space<vmem>>) dst(%dma_wait3A_408 : memref<4096xf32, #tpu.memory_space<hbm>>)
    %parallel_loop3A_411 = arith.constant 0 : i32
    %parallel_loop3A_412 = arith.constant 4096 : i32
    %parallel_loop3A_413 = arith.constant 16 : i32
    scf.for %parallel_loop3A_444 = %parallel_loop3A_411 to %parallel_loop3A_412 step %parallel_loop3A_413  : i32 {
      %parallel_loop3A_445 = arith.constant 12288 : i32
      %parallel_loop3A_446 = arith.addi %parallel_loop3A_445, %parallel_loop3A_444 : i32
      %parallel_loop3A_447 = arith.index_cast %parallel_loop3A_446 : i32 to index
      %parallel_loop3A_448 = tpu.vector_load %arg9[%parallel_loop3A_447] {strides = array<i32>} : memref<16384xi32, #tpu.memory_space<vmem>>, vector<16xi32>,
      %parallel_loop3A_449 = tpu.vector_load_idx %arg8[%parallel_loop3A_448] : memref<100000xf32, #tpu.memory_space<vmem>>[vector<16xi32>], vector<16xf32>,
      %parallel_loop3A_450 = arith.constant 0 : i32
      %parallel_loop3A_451 = arith.addi %parallel_loop3A_450, %parallel_loop3A_444 : i32
      %parallel_loop3A_452 = arith.index_cast %parallel_loop3A_451 : i32 to index
      %parallel_loop3A_453 = tpu.vector_load %arg10[%parallel_loop3A_452] {strides = array<i32>} : memref<12288xf32, #tpu.memory_space<vmem>>, vector<16xf32>,
      tpu.vector_store %arg10[%parallel_loop3A_452], %parallel_loop3A_449 {strides = array<i32>} : memref<12288xf32, #tpu.memory_space<vmem>>, vector<16xf32>,
    } {sc.loop_unroll_factor = 8 : i64, sc.parallel_access}
    %dma_start3A_414 = arith.constant 0 : i32
    %dma_start3A_415 = tpu.memref_slice %arg10[%dma_start3A_414] : memref<12288xf32, #tpu.memory_space<vmem>> -> memref<4096xf32, #tpu.memory_space<vmem>>
    %dma_start3A_416 = arith.constant 12288 : i32
    %dma_start3A_417 = tpu.memref_slice %arg7[%add3A_325, %dma_start3A_416] : memref<64x16384xf32, #tpu.memory_space<hbm>> -> memref<1x4096xf32, #tpu.memory_space<hbm>>
    %dma_start3A_418 = tpu.memref_squeeze %dma_start3A_417 : memref<1x4096xf32, #tpu.memory_space<hbm>> -> memref<4096xf32, #tpu.memory_space<hbm>>
    %dma_start3A_419 = arith.constant 12288 : i32
    %dma_start3A_420 = tpu.memref_slice %arg7[%add3A_325, %dma_start3A_419] : memref<64x16384xf32, #tpu.memory_space<hbm>> -> memref<1x4096xf32, #tpu.memory_space<hbm>>
    %dma_start3A_421 = tpu.memref_squeeze %dma_start3A_420 : memref<1x4096xf32, #tpu.memory_space<hbm>> -> memref<4096xf32, #tpu.memory_space<hbm>>
    %dma_start3A_422 = arith.constant 0 : i32
    %dma_start3A_423 = tpu.memref_slice %arg10[%dma_start3A_422] : memref<12288xf32, #tpu.memory_space<vmem>> -> memref<4096xf32, #tpu.memory_space<vmem>>
    tpu.enqueue_dma source(%dma_start3A_423 : memref<4096xf32, #tpu.memory_space<vmem>>) target(%dma_start3A_421 : memref<4096xf32, #tpu.memory_space<hbm>>) target_semaphore(%arg12 : memref<!tpu.dma_semaphore, #tpu.memory_space<semaphore_mem>>)
    %dma_wait3A_424 = arith.constant 8192 : i32
    %dma_wait3A_425 = tpu.memref_slice %arg10[%dma_wait3A_424] : memref<12288xf32, #tpu.memory_space<vmem>> -> memref<4096xf32, #tpu.memory_space<vmem>>
    %dma_wait3A_426 = arith.constant 8192 : i32
    %dma_wait3A_427 = tpu.memref_slice %arg7[%add3A_325, %dma_wait3A_426] : memref<64x16384xf32, #tpu.memory_space<hbm>> -> memref<1x4096xf32, #tpu.memory_space<hbm>>
    %dma_wait3A_428 = tpu.memref_squeeze %dma_wait3A_427 : memref<1x4096xf32, #tpu.memory_space<hbm>> -> memref<4096xf32, #tpu.memory_space<hbm>>
    %dma_wait3A_429 = arith.constant 8192 : i32
    %dma_wait3A_430 = tpu.memref_slice %arg7[%add3A_325, %dma_wait3A_429] : memref<64x16384xf32, #tpu.memory_space<hbm>> -> memref<1x4096xf32, #tpu.memory_space<hbm>>
    %dma_wait3A_431 = tpu.memref_squeeze %dma_wait3A_430 : memref<1x4096xf32, #tpu.memory_space<hbm>> -> memref<4096xf32, #tpu.memory_space<hbm>>
    %dma_wait3A_432 = arith.constant 8192 : i32
    %dma_wait3A_433 = tpu.memref_slice %arg10[%dma_wait3A_432] : memref<12288xf32, #tpu.memory_space<vmem>> -> memref<4096xf32, #tpu.memory_space<vmem>>
    tpu.wait_dma2 semaphore(%arg12 : memref<!tpu.dma_semaphore, #tpu.memory_space<semaphore_mem>>) src(%dma_wait3A_433 : memref<4096xf32, #tpu.memory_space<vmem>>) dst(%dma_wait3A_431 : memref<4096xf32, #tpu.memory_space<hbm>>)
    %dma_wait3A_434 = arith.constant 0 : i32
    %dma_wait3A_435 = tpu.memref_slice %arg10[%dma_wait3A_434] : memref<12288xf32, #tpu.memory_space<vmem>> -> memref<4096xf32, #tpu.memory_space<vmem>>
    %dma_wait3A_436 = arith.constant 12288 : i32
    %dma_wait3A_437 = tpu.memref_slice %arg7[%add3A_325, %dma_wait3A_436] : memref<64x16384xf32, #tpu.memory_space<hbm>> -> memref<1x4096xf32, #tpu.memory_space<hbm>>
    %dma_wait3A_438 = tpu.memref_squeeze %dma_wait3A_437 : memref<1x4096xf32, #tpu.memory_space<hbm>> -> memref<4096xf32, #tpu.memory_space<hbm>>
    %dma_wait3A_439 = arith.constant 12288 : i32
    %dma_wait3A_440 = tpu.memref_slice %arg7[%add3A_325, %dma_wait3A_439] : memref<64x16384xf32, #tpu.memory_space<hbm>> -> memref<1x4096xf32, #tpu.memory_space<hbm>>
    %dma_wait3A_441 = tpu.memref_squeeze %dma_wait3A_440 : memref<1x4096xf32, #tpu.memory_space<hbm>> -> memref<4096xf32, #tpu.memory_space<hbm>>
    %dma_wait3A_442 = arith.constant 0 : i32
    %dma_wait3A_443 = tpu.memref_slice %arg10[%dma_wait3A_442] : memref<12288xf32, #tpu.memory_space<vmem>> -> memref<4096xf32, #tpu.memory_space<vmem>>
    tpu.wait_dma2 semaphore(%arg12 : memref<!tpu.dma_semaphore, #tpu.memory_space<semaphore_mem>>) src(%dma_wait3A_443 : memref<4096xf32, #tpu.memory_space<vmem>>) dst(%dma_wait3A_441 : memref<4096xf32, #tpu.memory_space<hbm>>)
    return
  }
}

</mosaic_0001>

<sc_bundles>
// kernel: kernel.3.cloned.1.call-start
scs
__scs_entry_jumppad:
0x0: {  	(pc) =	sbr.rel $0x88, $3  }
0x1: {  	(tag) =	ssettag $0x0;
	lr =	simm.s32 $0x1  }
0x2: {  	[smem:$0x3F9D] =	sst lr;
	_ =	strace $0xD0000000  }
0x3: {  	_ = 	snop  }
0x4: {  	_ = 	snop  }
0x5: {  	_ = 	snop  }
0x6: {  	_ = 	snop  }
0x7: {  	_ = 	snop  }
__scs_overlays_trampoline_lowered:
0x8: {  	[smem:$0x3FAC] =	sst s0  }
0x9: {  	[smem:$0x3FAD] =	sst s1  }
0xa: {  	[smem:$0x3FAE] =	sst s2  }
0xb: {  	[smem:$0x3FAF] =	sst s3  }
0xc: {  	[smem:$0x3FB0] =	sst s4  }
0xd: {  	[smem:$0x3FB1] =	sst s5  }
0xe: {  	[smem:$0x3FB2] =	sst s6  }
0xf: {  	[smem:$0x3FB3] =	sst s7  }
0x10: {  	[smem:$0x3FB4] =	sst s8  }
0x11: {  	[smem:$0x3FB5] =	sst s9;
	s0 =	simm.s32 @!p0 $0x0  }
0x12: {  	s1 =	sld [smem:$0x3F9B];
	s0 =	simm.s32 @p0 $0x1  }
0x13: {  	[smem:$0x3FB6] =	sst s0;
	s0 =	simm.s32 @!p1 $0x0  }
0x14: {  	s2 =	sld [smem:$0x3F9A];
	s0 =	simm.s32 @p1 $0x1  }
0x15: {  	[smem:$0x3FB7] =	sst s0;
	s0 =	simm.s32 @!p2 $0x0  }
0x16: {  	s3 =	sld [smem:$0x3FDB];
	s0 =	simm.s32 @p2 $0x1  }
0x17: {  	s4 =	simm.s32 $0x1BF5;
	[smem:$0x3FB9] =	sst s0  }
0x18: {  	s0 =	sld [smem:$0x3F9C];
	_ =	swait.ge [sflag:s4], $0x0  }
0x19: {  	s7 =	sld [smem:$0x3F9D]  }
0x1a: {  	s8 =	sadd.s32 $0xFFFFE003, lr  }
0x1b: {  	s9 =	sadd.s32 $0xFFFFFEF7, lr;
	s5 =	simm.s32 $0xFFFFFFFF;
	p2 =	slt.u32 s8, $0xFFFFF086  }
0x1c: {  	p1 =	slt.u32 s9, $0xF7A;
	s5 =	simm.s32 @!p2 $0x0  }
0x1d: {  	s5 =	simm.s32 @p1 $0x1;
	p0 =	seq.s32 s7, s2  }
0x1e: {  	s7 =	smul.u32 @!p0 $0xF7A, s2;
	p2 =	seq.s32 @!p0 s5, $0x0  }
0x1f: {  	s9 =	smul.u32 $0xF7A, s1;
	s8 =	simm.s32 @!p0 $0x1BF5;
	p2 =	por !p2, p0  }
0x20: {  	[sflag:s8] =	ssyncset.s32 @!p0 $0xFFFFF086;
	s6 =	sadd.s32 @!p0 s3, s7;
	s7 =	simm.s32 @!p0 $0x108  }
0x21: {  	s3 =	sadd.s32 s3, s9;
	s6 =	sadd.s32 @!p0 $0x88, s6;
	s7 =	simm.s32 @p2 $0x1082  }
0x22: {  	[simem:s7], [sflag:s8] =	dma.local @!p0 [hbm:s6], $0xF7A  }
0x23: {  	s9 =	sor.u32 $0xD0000000, s2;
	s6 =	simm.s32 $0x108;
	_ =	swait.ge @!p0 [sflag:s8], $0x0  }
0x24: {  	s3 =	sadd.s32 $0x88, s3;
	s6 =	simm.s32 @!p1 $0x1082;
	[sflag:s4] =	ssyncset.s32 $0xFFFFF086  }
0x25: {  	[simem:s6], [sflag:s4] =	dma.local [hbm:s3], $0xF7A  }
0x26: {  	[smem:$0x3F9D] =	sst s1;
	(tag) =	ssettag s2;
	_ =	strace s9  }
0x27: {  	s1 =	sld [smem:$0x3FAD]  }
0x28: {  	s2 =	sld [smem:$0x3FAE]  }
0x29: {  	s4 =	sld [smem:$0x3FB0]  }
0x2a: {  	p0 =	seq.s32 s5, $0x0;
	s5 =	sld [smem:$0x3FB1]  }
0x2b: {  	s6 =	sld [smem:$0x3FB2]  }
0x2c: {  	s7 =	sld [smem:$0x3FB3]  }
0x2d: {  	s3 =	simm.s32 $0x108;
	s8 =	sld [smem:$0x3FB4]  }
0x2e: {  	s3 =	simm.s32 @!p0 $0x1082;
	s9 =	sld [smem:$0x3FB5]  }
0x2f: {  	lr =	sadd.s32 s0, s3;
	s0 =	sld [smem:$0x3FAC]  }
0x30: {  	s3 =	sld [smem:$0x3FAF]  }
0x31: {  	[smem:$0x3FB8] =	sst s10  }
0x32: {  	s10 =	sld [smem:$0x3FB6];
	_ =	sdelay $0x3  }
0x33: {  	p0 =	seq.s32 s10, $0x1;
	s10 =	sld [smem:$0x3FB8];
	_ =	sdelay $0x3  }
0x34: {  	[smem:$0x3FB8] =	sst s10  }
0x35: {  	s10 =	sld [smem:$0x3FB7];
	_ =	sdelay $0x3  }
0x36: {  	p1 =	seq.s32 s10, $0x1;
	s10 =	sld [smem:$0x3FB8];
	_ =	sdelay $0x3  }
0x37: {  	[smem:$0x3FB8] =	sst s10  }
0x38: {  	s10 =	sld [smem:$0x3FB9]  }
0x39: {  	_ = 	snop;
	(pc) =	sbr.ind lr, $3  }
0x3a: {  	_ = 	snop  }
0x3b: {  	_ = 	snop  }
0x3c: {  	p2 =	seq.s32 s10, $0x1;
	s10 =	sld [smem:$0x3FB8]  }
0x3d: {  	_ =	shalt  }
0x3e: {  	_ =	shalt  }
0x3f: {  	_ =	shalt  }
0x40: {  	_ =	shalt  }
0x41: {  	_ =	shalt  }
0x42: {  	_ =	shalt  }
0x43: {  	_ =	shalt  }
0x44: {  	_ =	shalt  }
0x45: {  	_ =	shalt  }
0x46: {  	_ =	shalt  }
0x47: {  	_ =	shalt  }
0x48: {  	_ =	shalt  }
0x49: {  	_ =	shalt  }
0x4a: {  	_ =	shalt  }
0x4b: {  	_ =	shalt  }
0x4c: {  	_ =	shalt  }
0x4d: {  	_ =	shalt  }
0x4e: {  	_ =	shalt  }
0x4f: {  	_ =	shalt  }
0x50: {  	_ =	shalt  }
0x51: {  	_ =	shalt  }
0x52: {  	_ =	shalt  }
0x53: {  	_ =	shalt  }
0x54: {  	_ =	shalt  }
0x55: {  	_ =	shalt  }
0x56: {  	_ =	shalt  }
0x57: {  	_ =	shalt  }
0x58: {  	_ =	shalt  }
0x59: {  	_ =	shalt  }
0x5a: {  	_ =	shalt  }
0x5b: {  	_ =	shalt  }
0x5c: {  	_ =	shalt  }
0x5d: {  	_ =	shalt  }
0x5e: {  	_ =	shalt  }
0x5f: {  	_ =	shalt  }
0x60: {  	_ =	shalt  }
0x61: {  	_ =	shalt  }
0x62: {  	_ =	shalt  }
0x63: {  	_ =	shalt  }
0x64: {  	_ =	shalt  }
0x65: {  	_ =	shalt  }
0x66: {  	_ =	shalt  }
0x67: {  	_ =	shalt  }
0x68: {  	_ =	shalt  }
0x69: {  	_ =	shalt  }
0x6a: {  	_ =	shalt  }
0x6b: {  	_ =	shalt  }
0x6c: {  	_ =	shalt  }
0x6d: {  	_ =	shalt  }
0x6e: {  	_ =	shalt  }
0x6f: {  	_ =	shalt  }
0x70: {  	_ =	shalt  }
0x71: {  	_ =	shalt  }
0x72: {  	_ =	shalt  }
0x73: {  	_ =	shalt  }
0x74: {  	_ =	shalt  }
0x75: {  	_ =	shalt  }
0x76: {  	_ =	shalt  }
0x77: {  	_ =	shalt  }
0x78: {  	_ =	shalt  }
0x79: {  	_ =	shalt  }
0x7a: {  	_ =	shalt  }
0x7b: {  	_ =	shalt  }
0x7c: {  	_ =	shalt  }
0x7d: {  	_ =	shalt  }
0x7e: {  	_ =	shalt  }
0x7f: {  	_ =	shalt  }
0x80: {  	_ =	shalt  }
0x81: {  	_ =	shalt  }
0x82: {  	_ =	shalt  }
0x83: {  	_ =	shalt  }
0x84: {  	_ =	shalt  }
0x85: {  	_ =	shalt  }
0x86: {  	_ =	shalt  }
0x87: {  	_ =	shalt  }
.Lfunc_end0:
.L_simem_size_0:
called_computation_lowered:
.L_overlay_start_0:
0x88: {  	s2 =	sld [smem:$0x3FD9]  }
0x89: {  	s3 =	sld [smem:$0x3FFE];
	_ =	sdelay $0x1  }
0x8a: {  	s1 =	srdreg.scid  }
0x8b: {  	s0 =	sand.u32 $0x1, s1  }
0x8c: {  	s15 =	sshll.u32 s0, $0xA;
	s2 =	sadd.s32 s3, s2  }
0x8d: {  	s2 =	sadd.s32 s2, s15  }
0x8e: {  	[smem:$0x3FC4] =	sst s2  }
0x8f: {  	_ = 	snop  }
0x90: {  	s2 =	sld [smem:$0x3FC9]  }
0x91: {  	s16 =	sld [smem:$0x3FD0]  }
0x92: {  	s4 =	sld [smem:$0x3FC8]  }
0x93: {  	s5 =	sld [smem:$0x3FC7]  }
0x94: {  	s7 =	simm.s32 $0xA;
	s8 =	simm.s32 $0x10;
	s6 =	sld [smem:$0x3FC6]  }
0x95: {  	[smem:s8], [sflag:s7] =	dma.local [hbm:s16], $0x1  }
0x96: {  	_ =	swait.eq [sflag:s7], $0x1  }
0x97: {  	[sflag:s7] =	ssyncset.done $0x0  }
0x98: {  	s17 =	sld [smem:$0x10];
	[sflag:s7] =	ssyncadd.s32 $0xFFFFFFFF  }
0x99: {  	s18 =	sld [smem:$0x11];
	(tm) =	ssettm $0x1  }
0x9a: {  	s19 =	sld [smem:$0x3FFB];
	_ =	sdelay $0x3  }
0x9b: {  	_ =	strace s19  }
0x9c: {  	s8 =	sld [smem:$0x3FFC];
	_ =	sdelay $0x3  }
0x9d: {  	_ =	strace s8  }
0x9e: {  	s8 =	sld [smem:$0x3FFD];
	_ =	sdelay $0x3  }
0x9f: {  	_ =	strace s8  }
0xa0: {  	_ =	strace $0x8FFFFFFF  }
0xa1: {  	s20 =	sld [smem:$0x3FDB];
	_ =	sdelay $0x1  }
0xa2: {  	s9 =	simm.s32 $_scs_section_size  }
0xa3: {  	s10 =	simm.s32 $_size__tile_overlayer_lowered;
	s11 =	simm.s32 $_tile_overlayer_lowered  }
0xa4: {  	s23 =	simm.s32 $0x1BFF;
	s22 =	sshll.u32 s11, $0x1;
	s8 =	sadd.s32 s9, s20  }
0xa5: {  	s12 =	simm.s32 $0x0;
	s21 =	sshll.u32 s10, $0x1;
	s10 =	sadd.s32 s22, s8  }
0xa6: {  	[timem:s12], [sflag:s23] =	dma.local [hbm:s10], s21  }
0xa7: {  	_ =	swait.ge [sflag:s23], s21  }
0xa8: {  	s9 =	ssub.s32 $0x0, s21;
	[sflag:s23] =	ssyncset.done $0x0  }
0xa9: {  	[sflag:s23] =	ssyncadd.s32 s9;
	_ =	sdelay $0x1  }
0xaa: {  	s24 =	simm.s32 $0x1B8B  }
0xab: {  	_ =	swait.ge [sflag:s24], $0x1  }
0xac: {  	[sflag:s24] =	ssyncset.done $0x0  }
0xad: {  	s25 =	simm.s32 $0x1B8E;
	[sflag:s24] =	ssyncadd.s32 $0xFFFFFFFF  }
0xae: {  	s26 =	simm.s32 $execute0_lowered;
	[smem:$0x3FD2] =	sst s25  }
0xaf: {  	s9 =	sshll.u32 s26, $0x1;
	_ =	strace $0x80000046;
	[dreg:$0x1] =	wrdreg $0xFFFFFFFF  }
0xb0: {  	s28 =	simm.s32 $_size_execute0_lowered;
	s8 =	sadd.s32 s8, s9;
	[dreg:$0x0] =	wrdreg $0x0  }
0xb1: {  	s9 =	sshll.u32 s28, $0x1;
	[dreg:$0x2] =	wrdreg s8  }
0xb2: {  	[dreg:$0x3] =	wrdreg s9  }
0xb3: {  	[dreg:$0x4] =	wrdreg $0xC0  }
0xb4: {  	_ =	task [dreg:s12], $0x5FFFF  }
0xb5: {  	[dreg:$0x1] =	wrdreg $0xFFFFFFFF  }
0xb6: {  	[dreg:$0x0] =	wrdreg $0x60  }
0xb7: {  	[dreg:$0x2] =	wrdreg s2  }
0xb8: {  	[dreg:$0x3] =	wrdreg s4  }
0xb9: {  	[dreg:$0x4] =	wrdreg s5  }
0xba: {  	[dreg:$0x5] =	wrdreg s6  }
0xbb: {  	[dreg:$0x6] =	wrdreg s17  }
0xbc: {  	[dreg:$0x7] =	wrdreg s18  }
0xbd: {  	[dreg:$0x8] =	wrdreg $0x9  }
0xbe: {  	_ =	task.clear_ibuf [dreg:s12], $0x9FFFF;
	_ =	strace $0x90000046  }
0xbf: {  	s29 =	simm.s32 $0x9;
	_ =	strace $0x80000048  }
0xc0: {  	_ =	swait.ge [sflag:s29], $0x1  }
0xc1: {  	[sflag:s29] =	ssyncadd.s32 $0xFFFFFFFF  }
0xc2: {  	_ =	strace $0x90000048  }
0xc3: {  	_ =	sfence  }
0xc4: {  	s30 =	sld [smem:$0x0];
	_ =	sdelay $0x2  }
0xc5: {  	s31 =	sshll.u32 s1, $0xD;
	s1 =	sshrl.u32 s1, $0x2  }
0xc6: {  	s3 =	sand.u32 $0x4000, s31;
	s1 =	sadd.s32 s1, s30  }
0xc7: {  	s0 =	sor.u32 s3, s0;
	s1 =	sshll.u32 s1, $0x11  }
0xc8: {  	s0 =	sor.u32 s1, s0  }
0xc9: {  	s0 =	sadd.s32 $0x8F2B, s0  }
0xca: {  	[sflag:s0] =	ssyncadd.remote.s32 $0x1  }
0xcb: {  	_ =	sfence.sel $0xFFFF  }
0xcc: {  	[dreg:$0x0] =	wrdreg $0xFFFFFFFF;
	(pc) =	sbr.abs _section_cstart, $3  }
0xcd: {  	[dreg:$0x1] =	wrdreg $0xFFFFFFFF  }
0xce: {  	_ =	task.clear_ibuf [dreg:s12], $0x2FFFF;
	_ =	strace $0x9FFFFFFF  }
0xcf: {  	(tm) =	ssettm $0x7FFFFFFF  }
tec
execute0_lowered:
.L_overlay_start_1:
0x0: {  	(tag) =	ssettag $0x1  }
0x1: {  	s1 =	rddreg [dreg:$0x2]  }
0x2: {  	s0 =	srdreg.scid;
	s2 =	rddreg [dreg:$0x3]  }
0x3: {  	s6 =	stileid.u32;
	s5 =	rddreg [dreg:$0x4]  }
0x4: {  	s28 =	simm.s32 $0x80;
	s29 =	simm.s32 $0x400;
	s0 =	sand.u32 $0x1, s0  }
0x5: {  	s30 =	simm.s32 $0x3;
	s4 =	sshll.u32 s6, $0x1;
	s3 =	sshll.u32 s0, $0x5  }
0x6: {  	s31 =	simm.s32 $0x1;
	s6 =	sshll.u32 s6, $0x8;
	s3 =	sor.u32 s4, s3  }
0x7: {  	s0 =	ssub.s32 $0x2, s0;
	s6 =	sand.u32 $0x300, s6;
	s3 =	sshrl.u32 s3, $0x3  }
0x8: {  	s8 =	sshrl.u32 s0, $0x1;
	s7 =	smul.u32 $0xC3800, s3;
	s3 =	sshll.u32 s3, $0x11  }
0x9: {  	s4 =	rddreg [dreg:$0x5];
	s0 =	ssub.s32 s0, s8;
	s10 =	sor.u32 s6, s3  }
0xa: {  	s9 =	sor.u32 s6, s7;
	s16 =	sshrl.u32 s10, $0x3;
	s6 =	sor.u32 $0x80, s6  }
0xb: {  	s12 =	sshrl.u32 s9, $0x3;
	s19 =	sadd.s32 s5, s16;
	s17 =	sor.u32 $0x1000, s16  }
0xc: {  	s7 =	sor.u32 s6, s7;
	s3 =	sor.u32 s6, s3;
	s25 =	sor.u32 $0x3000, s16  }
0xd: {  	s18 =	sadd.s32 s1, s12;
	[dreg:$0x8] =	wrdreg s19;
	s20 =	sadd.s32 s5, s17  }
0xe: {  	s22 =	sshrl.u32 s7, $0x3;
	s3 =	sshrl.u32 s3, $0x3;
	s9 =	sadd.s32 s5, s25  }
0xf: {  	s12 =	sadd.s32 s2, s12;
	s17 =	sadd.s32 s4, s17;
	s19 =	sadd.s32 s4, s25  }
0x10: {  	s25 =	smax.u32 s0, $0x1;
	s0 =	simm.s32 $0x1D700;
	[dreg:$0x7] =	wrdreg s18  }
0x11: {  	[dreg:$0x9] =	wrdreg s20;
	s18 =	sor.u32 $0x2000, s16;
	s8 =	sadd.s32 s1, s22  }
0x12: {  	s26 =	sor.u32 $0x1000, s3;
	s10 =	sadd.s32 s5, s3;
	s23 =	sor.u32 $0x2000, s3  }
0x13: {  	s24 =	sor.u32 $0x3000, s3;
	s13 =	sadd.s32 s2, s22;
	s16 =	sadd.s32 s4, s16  }
0x14: {  	s20 =	sadd.s32 s4, s3;
	s22 =	simm.s32 $0x0;
	s3 =	simm.s32 $0x1C700  }
0x15: {  	s1 =	simm.s32 $0x2;
	s2 =	simm.s32 $0x1E700;
	s21 =	sadd.s32 s5, s18  }
0x16: {  	s11 =	sadd.s32 s5, s26;
	s14 =	sadd.s32 s5, s23;
	s15 =	sadd.s32 s5, s24  }
0x17: {  	s18 =	sadd.s32 s4, s18;
	s23 =	sadd.s32 s4, s23;
	[smem:$0x7FF] =	sst s22  }
0x18: {  	s24 =	sadd.s32 s4, s24;
	[dreg:$0xa] =	wrdreg s21;
	s21 =	sadd.s32 s4, s26  }
0x19: {  	s26 =	simm.s32 $0x18700;
	s4 =	simm.s32 $0x0;
	_ =	strace $0x80000047  }
.LBB2_1:
0x1a: {  	s5 =	rddreg [dreg:$0x0]  }
0x1b: {  	[tilespmem:s26], [sflag:$0x3] =	stream.linear.gather [hbm4b:s5+s22], $0x4000, $0x38;
	[tilespmem:$0x1F700] =	vst v63  }
0x1c: {  	s6 =	rddreg [dreg:$0x7]  }
0x1d: {  	[tilespmem:s22], [sflag:$0x1] =	stream.strided.gather [hbm4b:s6+s28], $0x18700, s29, s28, $0x38;
	[tilespmem:$0x1F700] =	vst v63  }
0x1e: {  	_ =	swait.ge [sflag:s30], $0x4000  }
0x1f: {  	[sflag:s30] =	ssyncset.done $0x0  }
0x20: {  	[sflag:s30] =	ssyncadd.s32 $0xFFFFC000  }
0x21: {  	_ =	swait.ge [sflag:s31], $0x18700  }
0x22: {  	[sflag:s31] =	ssyncset.done $0x0  }
0x23: {  	s7 =	simm.s32 $0x18740;
	[sflag:s31] =	ssyncadd.s32 $0xFFFE7900  }
0x24: {  	v0 =	vld [tilespmem:s7+$0x30]  }
0x25: {  	v1 =	vld [tilespmem:s7+$0xFFFFFFD0]  }
0x26: {  	v2 =	vld [tilespmem:s7+$0xFFFFFFE0]  }
0x27: {  	v3 =	vld [tilespmem:s7+$0xFFFFFFF0]  }
0x28: {  	v4 =	vld [tilespmem:s7+$0x0]  }
0x29: {  	v6 =	vld [tilespmem:s7+$0x10]  }
0x2a: {  	v7 =	vld [tilespmem:s7+$0x20]  }
0x2b: {  	v8 =	vld [tilespmem:s7+$0xFFFFFFC0]  }
0x2c: {  	v9 =	vld.idx.msk [tilespmem:v0+s22+$0x0], $0xffff  }
0x2d: {  	v10 =	vld.idx.msk [tilespmem:v1+s22+$0x0], $0xffff  }
0x2e: {  	v5 =	vld.idx.msk [tilespmem:v2+s22+$0x0], $0xffff  }
0x2f: {  	v3 =	vld.idx.msk [tilespmem:v3+s22+$0x0], $0xffff  }
0x30: {  	v0 =	vld.idx.msk [tilespmem:v4+s22+$0x0], $0xffff  }
0x31: {  	s5 =	simm.s32 $0x1C740;
	v1 =	vld.idx.msk [tilespmem:v6+s22+$0x0], $0xffff  }
0x32: {  	v2 =	vld.idx.msk [tilespmem:v7+s22+$0x0], $0xffff;
	[tilespmem:s5+$0x30] =	vst v9  }
0x33: {  	s6 =	simm.s32 $0x0;
	s7 =	simm.s32 $0x187C0;
	v4 =	vld.idx.msk [tilespmem:v8+s22+$0x0], $0xffff;
	[tilespmem:s5+$0xFFFFFFD0] =	vst v10  }
.LBB2_2:
0x34: {  	v6 =	vld [tilespmem:s7+$0x30];
	s6 =	sadd.s32 $0x80, s6;
	[tilespmem:s5+$0xFFFFFFE0] =	vst v5  }
0x35: {  	v5 =	vld [tilespmem:s7+$0xFFFFFFD0];
	p0 =	slt.u32 s6, $0xF80;
	[tilespmem:s5+$0xFFFFFFF0] =	vst v3  }
0x36: {  	v3 =	vld [tilespmem:s7+$0xFFFFFFE0];
	[tilespmem:s5+$0x0] =	vst v0  }
0x37: {  	v0 =	vld [tilespmem:s7+$0xFFFFFFF0];
	[tilespmem:s5+$0x10] =	vst v1  }
0x38: {  	v1 =	vld [tilespmem:s7+$0x0];
	[tilespmem:s5+$0x20] =	vst v2  }
0x39: {  	v2 =	vld [tilespmem:s7+$0x10];
	[tilespmem:s5+$0xFFFFFFC0] =	vst v4  }
0x3a: {  	v4 =	vld [tilespmem:s7+$0x20]  }
0x3b: {  	v7 =	vld [tilespmem:s7+$0xFFFFFFC0]  }
0x3c: {  	v6 =	vld.idx.msk [tilespmem:v6+s22+$0x0], $0xffff  }
0x3d: {  	v8 =	vld.idx.msk [tilespmem:v5+s22+$0x0], $0xffff  }
0x3e: {  	v5 =	vld.idx.msk [tilespmem:v3+s22+$0x0], $0xffff  }
.Ltmp0:
0x3f: {  	v3 =	vld.idx.msk [tilespmem:v0+s22+$0x0], $0xffff;
	(pc) =	sbr.rel @p0 .LBB2_2-.Ltmp0, $4  }
0x40: {  	v0 =	vld.idx.msk [tilespmem:v1+s22+$0x0], $0xffff  }
0x41: {  	s5 =	sadd.s32 $0x80, s5;
	v1 =	vld.idx.msk [tilespmem:v2+s22+$0x0], $0xffff  }
0x42: {  	v2 =	vld.idx.msk [tilespmem:v4+s22+$0x0], $0xffff;
	[tilespmem:s5+$0x30] =	vst v6  }
0x43: {  	s7 =	sadd.s32 $0x80, s7;
	v4 =	vld.idx.msk [tilespmem:v7+s22+$0x0], $0xffff;
	[tilespmem:s5+$0xFFFFFFD0] =	vst v8  }
0x44: {  	[tilespmem:s5+$0xFFFFFFE0] =	vst v5  }
0x45: {  	[tilespmem:s5+$0xFFFFFFF0] =	vst v3  }
0x46: {  	[tilespmem:s5+$0x0] =	vst v0  }
0x47: {  	[tilespmem:s5+$0x10] =	vst v1  }
0x48: {  	[tilespmem:s5+$0x20] =	vst v2  }
0x49: {  	[tilespmem:s5+$0xFFFFFFC0] =	vst v4  }
0x4a: {  	s7 =	simm.s32 $0x19770;
	s5 =	rddreg [dreg:$0x8]  }
0x4b: {  	[hbm4b:s5+s28] =	stream.strided.scatter [tilespmem:s3], [sflag:$0x2], $0x1000, s29, s28, $0x38;
	[tilespmem:$0x1F700] =	vst v63  }
0x4c: {  	v0 =	vld [tilespmem:s7+$0x0]  }
0x4d: {  	v1 =	vld [tilespmem:s7+$0xFFFFFFA0]  }
0x4e: {  	v2 =	vld [tilespmem:s7+$0xFFFFFFB0]  }
0x4f: {  	v3 =	vld [tilespmem:s7+$0xFFFFFFC0]  }
0x50: {  	v4 =	vld [tilespmem:s7+$0xFFFFFFD0]  }
0x51: {  	v6 =	vld [tilespmem:s7+$0xFFFFFFE0]  }
0x52: {  	v7 =	vld [tilespmem:s7+$0xFFFFFFF0]  }
0x53: {  	v8 =	vld [tilespmem:s7+$0xFFFFFF90]  }
0x54: {  	v9 =	vld.idx.msk [tilespmem:v0+s22+$0x0], $0xffff  }
0x55: {  	v10 =	vld.idx.msk [tilespmem:v1+s22+$0x0], $0xffff  }
0x56: {  	v5 =	vld.idx.msk [tilespmem:v2+s22+$0x0], $0xffff  }
0x57: {  	v3 =	vld.idx.msk [tilespmem:v3+s22+$0x0], $0xffff  }
0x58: {  	v0 =	vld.idx.msk [tilespmem:v4+s22+$0x0], $0xffff  }
0x59: {  	s5 =	simm.s32 $0x1D770;
	v1 =	vld.idx.msk [tilespmem:v6+s22+$0x0], $0xffff  }
0x5a: {  	v2 =	vld.idx.msk [tilespmem:v7+s22+$0x0], $0xffff;
	[tilespmem:s5+$0x0] =	vst v9  }
0x5b: {  	s6 =	simm.s32 $0x0;
	s7 =	simm.s32 $0x197F0;
	v4 =	vld.idx.msk [tilespmem:v8+s22+$0x0], $0xffff;
	[tilespmem:s5+$0xFFFFFFA0] =	vst v10  }
.LBB2_4:
0x5c: {  	v6 =	vld [tilespmem:s7+$0x0];
	s6 =	sadd.s32 $0x80, s6;
	[tilespmem:s5+$0xFFFFFFB0] =	vst v5  }
0x5d: {  	v5 =	vld [tilespmem:s7+$0xFFFFFFA0];
	p0 =	slt.u32 s6, $0xF80;
	[tilespmem:s5+$0xFFFFFFC0] =	vst v3  }
0x5e: {  	v3 =	vld [tilespmem:s7+$0xFFFFFFB0];
	[tilespmem:s5+$0xFFFFFFD0] =	vst v0  }
0x5f: {  	v0 =	vld [tilespmem:s7+$0xFFFFFFC0];
	[tilespmem:s5+$0xFFFFFFE0] =	vst v1  }
0x60: {  	v1 =	vld [tilespmem:s7+$0xFFFFFFD0];
	[tilespmem:s5+$0xFFFFFFF0] =	vst v2  }
0x61: {  	v2 =	vld [tilespmem:s7+$0xFFFFFFE0];
	[tilespmem:s5+$0xFFFFFF90] =	vst v4  }
0x62: {  	v4 =	vld [tilespmem:s7+$0xFFFFFFF0]  }
0x63: {  	v7 =	vld [tilespmem:s7+$0xFFFFFF90]  }
0x64: {  	v6 =	vld.idx.msk [tilespmem:v6+s22+$0x0], $0xffff  }
0x65: {  	v8 =	vld.idx.msk [tilespmem:v5+s22+$0x0], $0xffff  }
0x66: {  	v5 =	vld.idx.msk [tilespmem:v3+s22+$0x0], $0xffff  }
.Ltmp1:
0x67: {  	v3 =	vld.idx.msk [tilespmem:v0+s22+$0x0], $0xffff;
	(pc) =	sbr.rel @p0 .LBB2_4-.Ltmp1, $4  }
0x68: {  	v0 =	vld.idx.msk [tilespmem:v1+s22+$0x0], $0xffff  }
0x69: {  	s5 =	sadd.s32 $0x80, s5;
	v1 =	vld.idx.msk [tilespmem:v2+s22+$0x0], $0xffff  }
0x6a: {  	v2 =	vld.idx.msk [tilespmem:v4+s22+$0x0], $0xffff;
	[tilespmem:s5+$0x0] =	vst v6  }
0x6b: {  	s7 =	sadd.s32 $0x80, s7;
	v4 =	vld.idx.msk [tilespmem:v7+s22+$0x0], $0xffff;
	[tilespmem:s5+$0xFFFFFFA0] =	vst v8  }
0x6c: {  	[tilespmem:s5+$0xFFFFFFB0] =	vst v5  }
0x6d: {  	[tilespmem:s5+$0xFFFFFFC0] =	vst v3  }
0x6e: {  	[tilespmem:s5+$0xFFFFFFD0] =	vst v0  }
0x6f: {  	[tilespmem:s5+$0xFFFFFFE0] =	vst v1  }
0x70: {  	[tilespmem:s5+$0xFFFFFFF0] =	vst v2  }
0x71: {  	[tilespmem:s5+$0xFFFFFF90] =	vst v4  }
0x72: {  	s5 =	rddreg [dreg:$0x9]  }
0x73: {  	[hbm4b:s5+s28] =	stream.strided.scatter [tilespmem:s0], [sflag:$0x2], $0x1000, s29, s28, $0x38;
	[tilespmem:$0x1F700] =	vst v63  }
0x74: {  	_ =	swait.ge [sflag:s1], $0x1000  }
0x75: {  	[sflag:s1] =	ssyncset.done $0x0  }
0x76: {  	s7 =	simm.s32 $0x1A770;
	[sflag:s1] =	ssyncadd.s32 $0xFFFFF000  }
0x77: {  	v0 =	vld [tilespmem:s7+$0x0]  }
0x78: {  	v1 =	vld [tilespmem:s7+$0xFFFFFFA0]  }
0x79: {  	v2 =	vld [tilespmem:s7+$0xFFFFFFB0]  }
0x7a: {  	v3 =	vld [tilespmem:s7+$0xFFFFFFC0]  }
0x7b: {  	v4 =	vld [tilespmem:s7+$0xFFFFFFD0]  }
0x7c: {  	v6 =	vld [tilespmem:s7+$0xFFFFFFE0]  }
0x7d: {  	v7 =	vld [tilespmem:s7+$0xFFFFFFF0]  }
0x7e: {  	v8 =	vld [tilespmem:s7+$0xFFFFFF90]  }
0x7f: {  	v9 =	vld.idx.msk [tilespmem:v0+s22+$0x0], $0xffff  }
0x80: {  	v10 =	vld.idx.msk [tilespmem:v1+s22+$0x0], $0xffff  }
0x81: {  	v5 =	vld.idx.msk [tilespmem:v2+s22+$0x0], $0xffff  }
0x82: {  	v3 =	vld.idx.msk [tilespmem:v3+s22+$0x0], $0xffff  }
0x83: {  	v0 =	vld.idx.msk [tilespmem:v4+s22+$0x0], $0xffff  }
0x84: {  	s5 =	simm.s32 $0x1E770;
	v1 =	vld.idx.msk [tilespmem:v6+s22+$0x0], $0xffff  }
0x85: {  	v2 =	vld.idx.msk [tilespmem:v7+s22+$0x0], $0xffff;
	[tilespmem:s5+$0x0] =	vst v9  }
0x86: {  	s6 =	simm.s32 $0x0;
	s7 =	simm.s32 $0x1A7F0;
	v4 =	vld.idx.msk [tilespmem:v8+s22+$0x0], $0xffff;
	[tilespmem:s5+$0xFFFFFFA0] =	vst v10  }
.LBB2_6:
0x87: {  	v6 =	vld [tilespmem:s7+$0x0];
	s6 =	sadd.s32 $0x80, s6;
	[tilespmem:s5+$0xFFFFFFB0] =	vst v5  }
0x88: {  	v5 =	vld [tilespmem:s7+$0xFFFFFFA0];
	p0 =	slt.u32 s6, $0xF80;
	[tilespmem:s5+$0xFFFFFFC0] =	vst v3  }
0x89: {  	v3 =	vld [tilespmem:s7+$0xFFFFFFB0];
	[tilespmem:s5+$0xFFFFFFD0] =	vst v0  }
0x8a: {  	v0 =	vld [tilespmem:s7+$0xFFFFFFC0];
	[tilespmem:s5+$0xFFFFFFE0] =	vst v1  }
0x8b: {  	v1 =	vld [tilespmem:s7+$0xFFFFFFD0];
	[tilespmem:s5+$0xFFFFFFF0] =	vst v2  }
0x8c: {  	v2 =	vld [tilespmem:s7+$0xFFFFFFE0];
	[tilespmem:s5+$0xFFFFFF90] =	vst v4  }
0x8d: {  	v4 =	vld [tilespmem:s7+$0xFFFFFFF0]  }
0x8e: {  	v7 =	vld [tilespmem:s7+$0xFFFFFF90]  }
0x8f: {  	v6 =	vld.idx.msk [tilespmem:v6+s22+$0x0], $0xffff  }
0x90: {  	v8 =	vld.idx.msk [tilespmem:v5+s22+$0x0], $0xffff  }
0x91: {  	v5 =	vld.idx.msk [tilespmem:v3+s22+$0x0], $0xffff  }
.Ltmp2:
0x92: {  	v3 =	vld.idx.msk [tilespmem:v0+s22+$0x0], $0xffff;
	(pc) =	sbr.rel @p0 .LBB2_6-.Ltmp2, $4  }
0x93: {  	v0 =	vld.idx.msk [tilespmem:v1+s22+$0x0], $0xffff  }
0x94: {  	s5 =	sadd.s32 $0x80, s5;
	v1 =	vld.idx.msk [tilespmem:v2+s22+$0x0], $0xffff  }
0x95: {  	v2 =	vld.idx.msk [tilespmem:v4+s22+$0x0], $0xffff;
	[tilespmem:s5+$0x0] =	vst v6  }
0x96: {  	s7 =	sadd.s32 $0x80, s7;
	v4 =	vld.idx.msk [tilespmem:v7+s22+$0x0], $0xffff;
	[tilespmem:s5+$0xFFFFFFA0] =	vst v8  }
0x97: {  	[tilespmem:s5+$0xFFFFFFB0] =	vst v5  }
0x98: {  	[tilespmem:s5+$0xFFFFFFC0] =	vst v3  }
0x99: {  	[tilespmem:s5+$0xFFFFFFD0] =	vst v0  }
0x9a: {  	[tilespmem:s5+$0xFFFFFFE0] =	vst v1  }
0x9b: {  	[tilespmem:s5+$0xFFFFFFF0] =	vst v2  }
0x9c: {  	[tilespmem:s5+$0xFFFFFF90] =	vst v4  }
0x9d: {  	s5 =	rddreg [dreg:$0xa]  }
0x9e: {  	[hbm4b:s5+s28] =	stream.strided.scatter [tilespmem:s2], [sflag:$0x2], $0x1000, s29, s28, $0x38;
	[tilespmem:$0x1F700] =	vst v63  }
0x9f: {  	_ =	swait.ge [sflag:s1], $0x1000  }
0xa0: {  	[sflag:s1] =	ssyncset.done $0x0  }
0xa1: {  	s7 =	simm.s32 $0x1B770;
	[sflag:s1] =	ssyncadd.s32 $0xFFFFF000  }
0xa2: {  	v0 =	vld [tilespmem:s7+$0x0]  }
0xa3: {  	v1 =	vld [tilespmem:s7+$0xFFFFFFA0]  }
0xa4: {  	v2 =	vld [tilespmem:s7+$0xFFFFFFB0]  }
0xa5: {  	v3 =	vld [tilespmem:s7+$0xFFFFFFC0]  }
0xa6: {  	v4 =	vld [tilespmem:s7+$0xFFFFFFD0]  }
0xa7: {  	v6 =	vld [tilespmem:s7+$0xFFFFFFE0]  }
0xa8: {  	v7 =	vld [tilespmem:s7+$0xFFFFFFF0]  }
0xa9: {  	v8 =	vld [tilespmem:s7+$0xFFFFFF90]  }
0xaa: {  	v9 =	vld.idx.msk [tilespmem:v0+s22+$0x0], $0xffff  }
0xab: {  	v10 =	vld.idx.msk [tilespmem:v1+s22+$0x0], $0xffff  }
0xac: {  	v5 =	vld.idx.msk [tilespmem:v2+s22+$0x0], $0xffff  }
0xad: {  	v3 =	vld.idx.msk [tilespmem:v3+s22+$0x0], $0xffff  }
0xae: {  	v0 =	vld.idx.msk [tilespmem:v4+s22+$0x0], $0xffff  }
0xaf: {  	s5 =	simm.s32 $0x1C740;
	v1 =	vld.idx.msk [tilespmem:v6+s22+$0x0], $0xffff  }
0xb0: {  	v2 =	vld.idx.msk [tilespmem:v7+s22+$0x0], $0xffff;
	[tilespmem:s5+$0x30] =	vst v9  }
0xb1: {  	s6 =	simm.s32 $0x0;
	s7 =	simm.s32 $0x1B7F0;
	v4 =	vld.idx.msk [tilespmem:v8+s22+$0x0], $0xffff;
	[tilespmem:s5+$0xFFFFFFD0] =	vst v10  }
.LBB2_8:
0xb2: {  	v6 =	vld [tilespmem:s7+$0x0];
	s6 =	sadd.s32 $0x80, s6;
	[tilespmem:s5+$0xFFFFFFE0] =	vst v5  }
0xb3: {  	v5 =	vld [tilespmem:s7+$0xFFFFFFA0];
	p0 =	slt.u32 s6, $0xF80;
	[tilespmem:s5+$0xFFFFFFF0] =	vst v3  }
0xb4: {  	v3 =	vld [tilespmem:s7+$0xFFFFFFB0];
	[tilespmem:s5+$0x0] =	vst v0  }
0xb5: {  	v0 =	vld [tilespmem:s7+$0xFFFFFFC0];
	[tilespmem:s5+$0x10] =	vst v1  }
0xb6: {  	v1 =	vld [tilespmem:s7+$0xFFFFFFD0];
	[tilespmem:s5+$0x20] =	vst v2  }
0xb7: {  	v2 =	vld [tilespmem:s7+$0xFFFFFFE0];
	[tilespmem:s5+$0xFFFFFFC0] =	vst v4  }
0xb8: {  	v4 =	vld [tilespmem:s7+$0xFFFFFFF0]  }
0xb9: {  	v7 =	vld [tilespmem:s7+$0xFFFFFF90]  }
0xba: {  	v6 =	vld.idx.msk [tilespmem:v6+s22+$0x0], $0xffff  }
0xbb: {  	v8 =	vld.idx.msk [tilespmem:v5+s22+$0x0], $0xffff  }
0xbc: {  	v5 =	vld.idx.msk [tilespmem:v3+s22+$0x0], $0xffff  }
.Ltmp3:
0xbd: {  	v3 =	vld.idx.msk [tilespmem:v0+s22+$0x0], $0xffff;
	(pc) =	sbr.rel @p0 .LBB2_8-.Ltmp3, $4  }
0xbe: {  	v0 =	vld.idx.msk [tilespmem:v1+s22+$0x0], $0xffff  }
0xbf: {  	s5 =	sadd.s32 $0x80, s5;
	v1 =	vld.idx.msk [tilespmem:v2+s22+$0x0], $0xffff  }
0xc0: {  	v2 =	vld.idx.msk [tilespmem:v4+s22+$0x0], $0xffff;
	[tilespmem:s5+$0x30] =	vst v6  }
0xc1: {  	s7 =	sadd.s32 $0x80, s7;
	v4 =	vld.idx.msk [tilespmem:v7+s22+$0x0], $0xffff;
	[tilespmem:s5+$0xFFFFFFD0] =	vst v8  }
0xc2: {  	[tilespmem:s5+$0xFFFFFFE0] =	vst v5  }
0xc3: {  	[tilespmem:s5+$0xFFFFFFF0] =	vst v3  }
0xc4: {  	[tilespmem:s5+$0x0] =	vst v0  }
0xc5: {  	[tilespmem:s5+$0x10] =	vst v1  }
0xc6: {  	[tilespmem:s5+$0x20] =	vst v2  }
0xc7: {  	[tilespmem:s5+$0xFFFFFFC0] =	vst v4  }
0xc8: {  	[tilespmem:s22], [sflag:$0x1] =	stream.strided.gather [hbm4b:s8+s28], $0x18700, s29, s28, $0x38;
	[tilespmem:$0x1F700] =	vst v63  }
0xc9: {  	_ = 	snop  }
0xca: {  	[hbm4b:s9+s28] =	stream.strided.scatter [tilespmem:s3], [sflag:$0x2], $0x1000, s29, s28, $0x38;
	[tilespmem:$0x1F700] =	vst v63  }
0xcb: {  	_ =	swait.ge [sflag:s31], $0x18700  }
0xcc: {  	[sflag:s31] =	ssyncset.done $0x0  }
0xcd: {  	[sflag:s31] =	ssyncadd.s32 $0xFFFE7900  }
0xce: {  	_ =	swait.ge [sflag:s1], $0x1000  }
0xcf: {  	[sflag:s1] =	ssyncset.done $0x0  }
0xd0: {  	s7 =	simm.s32 $0x18740;
	[sflag:s1] =	ssyncadd.s32 $0xFFFFF000  }
0xd1: {  	v0 =	vld [tilespmem:s7+$0x30]  }
0xd2: {  	v1 =	vld [tilespmem:s7+$0xFFFFFFD0]  }
0xd3: {  	v2 =	vld [tilespmem:s7+$0xFFFFFFE0]  }
0xd4: {  	v3 =	vld [tilespmem:s7+$0xFFFFFFF0]  }
0xd5: {  	v4 =	vld [tilespmem:s7+$0x0]  }
0xd6: {  	v6 =	vld [tilespmem:s7+$0x10]  }
0xd7: {  	v7 =	vld [tilespmem:s7+$0x20]  }
0xd8: {  	v8 =	vld [tilespmem:s7+$0xFFFFFFC0]  }
0xd9: {  	v9 =	vld.idx.msk [tilespmem:v0+s22+$0x0], $0xffff  }
0xda: {  	v10 =	vld.idx.msk [tilespmem:v1+s22+$0x0], $0xffff  }
0xdb: {  	v5 =	vld.idx.msk [tilespmem:v2+s22+$0x0], $0xffff  }
0xdc: {  	v3 =	vld.idx.msk [tilespmem:v3+s22+$0x0], $0xffff  }
0xdd: {  	v0 =	vld.idx.msk [tilespmem:v4+s22+$0x0], $0xffff  }
0xde: {  	s5 =	simm.s32 $0x1D770;
	v1 =	vld.idx.msk [tilespmem:v6+s22+$0x0], $0xffff  }
0xdf: {  	v2 =	vld.idx.msk [tilespmem:v7+s22+$0x0], $0xffff;
	[tilespmem:s5+$0x0] =	vst v9  }
0xe0: {  	s6 =	simm.s32 $0x0;
	s7 =	simm.s32 $0x187C0;
	v4 =	vld.idx.msk [tilespmem:v8+s22+$0x0], $0xffff;
	[tilespmem:s5+$0xFFFFFFA0] =	vst v10  }
.LBB2_10:
0xe1: {  	v6 =	vld [tilespmem:s7+$0x30];
	s6 =	sadd.s32 $0x80, s6;
	[tilespmem:s5+$0xFFFFFFB0] =	vst v5  }
0xe2: {  	v5 =	vld [tilespmem:s7+$0xFFFFFFD0];
	p0 =	slt.u32 s6, $0xF80;
	[tilespmem:s5+$0xFFFFFFC0] =	vst v3  }
0xe3: {  	v3 =	vld [tilespmem:s7+$0xFFFFFFE0];
	[tilespmem:s5+$0xFFFFFFD0] =	vst v0  }
0xe4: {  	v0 =	vld [tilespmem:s7+$0xFFFFFFF0];
	[tilespmem:s5+$0xFFFFFFE0] =	vst v1  }
0xe5: {  	v1 =	vld [tilespmem:s7+$0x0];
	[tilespmem:s5+$0xFFFFFFF0] =	vst v2  }
0xe6: {  	v2 =	vld [tilespmem:s7+$0x10];
	[tilespmem:s5+$0xFFFFFF90] =	vst v4  }
0xe7: {  	v4 =	vld [tilespmem:s7+$0x20]  }
0xe8: {  	v7 =	vld [tilespmem:s7+$0xFFFFFFC0]  }
0xe9: {  	v6 =	vld.idx.msk [tilespmem:v6+s22+$0x0], $0xffff  }
0xea: {  	v8 =	vld.idx.msk [tilespmem:v5+s22+$0x0], $0xffff  }
0xeb: {  	v5 =	vld.idx.msk [tilespmem:v3+s22+$0x0], $0xffff  }
.Ltmp4:
0xec: {  	v3 =	vld.idx.msk [tilespmem:v0+s22+$0x0], $0xffff;
	(pc) =	sbr.rel @p0 .LBB2_10-.Ltmp4, $4  }
0xed: {  	v0 =	vld.idx.msk [tilespmem:v1+s22+$0x0], $0xffff  }
0xee: {  	s5 =	sadd.s32 $0x80, s5;
	v1 =	vld.idx.msk [tilespmem:v2+s22+$0x0], $0xffff  }
0xef: {  	v2 =	vld.idx.msk [tilespmem:v4+s22+$0x0], $0xffff;
	[tilespmem:s5+$0x0] =	vst v6  }
0xf0: {  	s7 =	sadd.s32 $0x80, s7;
	v4 =	vld.idx.msk [tilespmem:v7+s22+$0x0], $0xffff;
	[tilespmem:s5+$0xFFFFFFA0] =	vst v8  }
0xf1: {  	[tilespmem:s5+$0xFFFFFFB0] =	vst v5  }
0xf2: {  	[tilespmem:s5+$0xFFFFFFC0] =	vst v3  }
0xf3: {  	[tilespmem:s5+$0xFFFFFFD0] =	vst v0  }
0xf4: {  	[tilespmem:s5+$0xFFFFFFE0] =	vst v1  }
0xf5: {  	[tilespmem:s5+$0xFFFFFFF0] =	vst v2  }
0xf6: {  	[tilespmem:s5+$0xFFFFFF90] =	vst v4  }
0xf7: {  	[hbm4b:s10+s28] =	stream.strided.scatter [tilespmem:s0], [sflag:$0x2], $0x1000, s29, s28, $0x38;
	[tilespmem:$0x1F700] =	vst v63  }
0xf8: {  	_ =	swait.ge [sflag:s1], $0x1000  }
0xf9: {  	[sflag:s1] =	ssyncset.done $0x0  }
0xfa: {  	s7 =	simm.s32 $0x19770;
	[sflag:s1] =	ssyncadd.s32 $0xFFFFF000  }
0xfb: {  	v0 =	vld [tilespmem:s7+$0x0]  }
0xfc: {  	v1 =	vld [tilespmem:s7+$0xFFFFFFA0]  }
0xfd: {  	v2 =	vld [tilespmem:s7+$0xFFFFFFB0]  }
0xfe: {  	v3 =	vld [tilespmem:s7+$0xFFFFFFC0]  }
0xff: {  	v4 =	vld [tilespmem:s7+$0xFFFFFFD0]  }
0x100: {  	v6 =	vld [tilespmem:s7+$0xFFFFFFE0]  }
0x101: {  	v7 =	vld [tilespmem:s7+$0xFFFFFFF0]  }
0x102: {  	v8 =	vld [tilespmem:s7+$0xFFFFFF90]  }
0x103: {  	v9 =	vld.idx.msk [tilespmem:v0+s22+$0x0], $0xffff  }
0x104: {  	v10 =	vld.idx.msk [tilespmem:v1+s22+$0x0], $0xffff  }
0x105: {  	v5 =	vld.idx.msk [tilespmem:v2+s22+$0x0], $0xffff  }
0x106: {  	v3 =	vld.idx.msk [tilespmem:v3+s22+$0x0], $0xffff  }
0x107: {  	v0 =	vld.idx.msk [tilespmem:v4+s22+$0x0], $0xffff  }
0x108: {  	s5 =	simm.s32 $0x1E770;
	v1 =	vld.idx.msk [tilespmem:v6+s22+$0x0], $0xffff  }
0x109: {  	v2 =	vld.idx.msk [tilespmem:v7+s22+$0x0], $0xffff;
	[tilespmem:s5+$0x0] =	vst v9  }
0x10a: {  	s6 =	simm.s32 $0x0;
	s7 =	simm.s32 $0x197F0;
	v4 =	vld.idx.msk [tilespmem:v8+s22+$0x0], $0xffff;
	[tilespmem:s5+$0xFFFFFFA0] =	vst v10  }
.LBB2_12:
0x10b: {  	v6 =	vld [tilespmem:s7+$0x0];
	s6 =	sadd.s32 $0x80, s6;
	[tilespmem:s5+$0xFFFFFFB0] =	vst v5  }
0x10c: {  	v5 =	vld [tilespmem:s7+$0xFFFFFFA0];
	p0 =	slt.u32 s6, $0xF80;
	[tilespmem:s5+$0xFFFFFFC0] =	vst v3  }
0x10d: {  	v3 =	vld [tilespmem:s7+$0xFFFFFFB0];
	[tilespmem:s5+$0xFFFFFFD0] =	vst v0  }
0x10e: {  	v0 =	vld [tilespmem:s7+$0xFFFFFFC0];
	[tilespmem:s5+$0xFFFFFFE0] =	vst v1  }
0x10f: {  	v1 =	vld [tilespmem:s7+$0xFFFFFFD0];
	[tilespmem:s5+$0xFFFFFFF0] =	vst v2  }
0x110: {  	v2 =	vld [tilespmem:s7+$0xFFFFFFE0];
	[tilespmem:s5+$0xFFFFFF90] =	vst v4  }
0x111: {  	v4 =	vld [tilespmem:s7+$0xFFFFFFF0]  }
0x112: {  	v7 =	vld [tilespmem:s7+$0xFFFFFF90]  }
0x113: {  	v6 =	vld.idx.msk [tilespmem:v6+s22+$0x0], $0xffff  }
0x114: {  	v8 =	vld.idx.msk [tilespmem:v5+s22+$0x0], $0xffff  }
0x115: {  	v5 =	vld.idx.msk [tilespmem:v3+s22+$0x0], $0xffff  }
.Ltmp5:
0x116: {  	v3 =	vld.idx.msk [tilespmem:v0+s22+$0x0], $0xffff;
	(pc) =	sbr.rel @p0 .LBB2_12-.Ltmp5, $4  }
0x117: {  	v0 =	vld.idx.msk [tilespmem:v1+s22+$0x0], $0xffff  }
0x118: {  	s5 =	sadd.s32 $0x80, s5;
	v1 =	vld.idx.msk [tilespmem:v2+s22+$0x0], $0xffff  }
0x119: {  	v2 =	vld.idx.msk [tilespmem:v4+s22+$0x0], $0xffff;
	[tilespmem:s5+$0x0] =	vst v6  }
0x11a: {  	s7 =	sadd.s32 $0x80, s7;
	v4 =	vld.idx.msk [tilespmem:v7+s22+$0x0], $0xffff;
	[tilespmem:s5+$0xFFFFFFA0] =	vst v8  }
0x11b: {  	[tilespmem:s5+$0xFFFFFFB0] =	vst v5  }
0x11c: {  	[tilespmem:s5+$0xFFFFFFC0] =	vst v3  }
0x11d: {  	[tilespmem:s5+$0xFFFFFFD0] =	vst v0  }
0x11e: {  	[tilespmem:s5+$0xFFFFFFE0] =	vst v1  }
0x11f: {  	[tilespmem:s5+$0xFFFFFFF0] =	vst v2  }
0x120: {  	[tilespmem:s5+$0xFFFFFF90] =	vst v4  }
0x121: {  	[hbm4b:s11+s28] =	stream.strided.scatter [tilespmem:s2], [sflag:$0x2], $0x1000, s29, s28, $0x38;
	[tilespmem:$0x1F700] =	vst v63  }
0x122: {  	_ =	swait.ge [sflag:s1], $0x1000  }
0x123: {  	[sflag:s1] =	ssyncset.done $0x0  }
0x124: {  	s7 =	simm.s32 $0x1A770;
	[sflag:s1] =	ssyncadd.s32 $0xFFFFF000  }
0x125: {  	v0 =	vld [tilespmem:s7+$0x0]  }
0x126: {  	v1 =	vld [tilespmem:s7+$0xFFFFFFA0]  }
0x127: {  	v2 =	vld [tilespmem:s7+$0xFFFFFFB0]  }
0x128: {  	v3 =	vld [tilespmem:s7+$0xFFFFFFC0]  }
0x129: {  	v4 =	vld [tilespmem:s7+$0xFFFFFFD0]  }
0x12a: {  	v6 =	vld [tilespmem:s7+$0xFFFFFFE0]  }
0x12b: {  	v7 =	vld [tilespmem:s7+$0xFFFFFFF0]  }
0x12c: {  	v8 =	vld [tilespmem:s7+$0xFFFFFF90]  }
0x12d: {  	v9 =	vld.idx.msk [tilespmem:v0+s22+$0x0], $0xffff  }
0x12e: {  	v10 =	vld.idx.msk [tilespmem:v1+s22+$0x0], $0xffff  }
0x12f: {  	v5 =	vld.idx.msk [tilespmem:v2+s22+$0x0], $0xffff  }
0x130: {  	v3 =	vld.idx.msk [tilespmem:v3+s22+$0x0], $0xffff  }
0x131: {  	v0 =	vld.idx.msk [tilespmem:v4+s22+$0x0], $0xffff  }
0x132: {  	s5 =	simm.s32 $0x1C740;
	v1 =	vld.idx.msk [tilespmem:v6+s22+$0x0], $0xffff  }
0x133: {  	v2 =	vld.idx.msk [tilespmem:v7+s22+$0x0], $0xffff;
	[tilespmem:s5+$0x30] =	vst v9  }
0x134: {  	s6 =	simm.s32 $0x0;
	s7 =	simm.s32 $0x1A7F0;
	v4 =	vld.idx.msk [tilespmem:v8+s22+$0x0], $0xffff;
	[tilespmem:s5+$0xFFFFFFD0] =	vst v10  }
.LBB2_14:
0x135: {  	v6 =	vld [tilespmem:s7+$0x0];
	s6 =	sadd.s32 $0x80, s6;
	[tilespmem:s5+$0xFFFFFFE0] =	vst v5  }
0x136: {  	v5 =	vld [tilespmem:s7+$0xFFFFFFA0];
	p0 =	slt.u32 s6, $0xF80;
	[tilespmem:s5+$0xFFFFFFF0] =	vst v3  }
0x137: {  	v3 =	vld [tilespmem:s7+$0xFFFFFFB0];
	[tilespmem:s5+$0x0] =	vst v0  }
0x138: {  	v0 =	vld [tilespmem:s7+$0xFFFFFFC0];
	[tilespmem:s5+$0x10] =	vst v1  }
0x139: {  	v1 =	vld [tilespmem:s7+$0xFFFFFFD0];
	[tilespmem:s5+$0x20] =	vst v2  }
0x13a: {  	v2 =	vld [tilespmem:s7+$0xFFFFFFE0];
	[tilespmem:s5+$0xFFFFFFC0] =	vst v4  }
0x13b: {  	v4 =	vld [tilespmem:s7+$0xFFFFFFF0]  }
0x13c: {  	v7 =	vld [tilespmem:s7+$0xFFFFFF90]  }
0x13d: {  	v6 =	vld.idx.msk [tilespmem:v6+s22+$0x0], $0xffff  }
0x13e: {  	v8 =	vld.idx.msk [tilespmem:v5+s22+$0x0], $0xffff  }
0x13f: {  	v5 =	vld.idx.msk [tilespmem:v3+s22+$0x0], $0xffff  }
.Ltmp6:
0x140: {  	v3 =	vld.idx.msk [tilespmem:v0+s22+$0x0], $0xffff;
	(pc) =	sbr.rel @p0 .LBB2_14-.Ltmp6, $4  }
0x141: {  	v0 =	vld.idx.msk [tilespmem:v1+s22+$0x0], $0xffff  }
0x142: {  	s5 =	sadd.s32 $0x80, s5;
	v1 =	vld.idx.msk [tilespmem:v2+s22+$0x0], $0xffff  }
0x143: {  	v2 =	vld.idx.msk [tilespmem:v4+s22+$0x0], $0xffff;
	[tilespmem:s5+$0x30] =	vst v6  }
0x144: {  	s7 =	sadd.s32 $0x80, s7;
	v4 =	vld.idx.msk [tilespmem:v7+s22+$0x0], $0xffff;
	[tilespmem:s5+$0xFFFFFFD0] =	vst v8  }
0x145: {  	[tilespmem:s5+$0xFFFFFFE0] =	vst v5  }
0x146: {  	[tilespmem:s5+$0xFFFFFFF0] =	vst v3  }
0x147: {  	[tilespmem:s5+$0x0] =	vst v0  }
0x148: {  	[tilespmem:s5+$0x10] =	vst v1  }
0x149: {  	[tilespmem:s5+$0x20] =	vst v2  }
0x14a: {  	[tilespmem:s5+$0xFFFFFFC0] =	vst v4  }
0x14b: {  	[hbm4b:s14+s28] =	stream.strided.scatter [tilespmem:s3], [sflag:$0x2], $0x1000, s29, s28, $0x38;
	[tilespmem:$0x1F700] =	vst v63  }
0x14c: {  	_ =	swait.ge [sflag:s1], $0x1000  }
0x14d: {  	[sflag:s1] =	ssyncset.done $0x0  }
0x14e: {  	s7 =	simm.s32 $0x1B770;
	[sflag:s1] =	ssyncadd.s32 $0xFFFFF000  }
0x14f: {  	v0 =	vld [tilespmem:s7+$0x0]  }
0x150: {  	v1 =	vld [tilespmem:s7+$0xFFFFFFA0]  }
0x151: {  	v2 =	vld [tilespmem:s7+$0xFFFFFFB0]  }
0x152: {  	v3 =	vld [tilespmem:s7+$0xFFFFFFC0]  }
0x153: {  	v4 =	vld [tilespmem:s7+$0xFFFFFFD0]  }
0x154: {  	v6 =	vld [tilespmem:s7+$0xFFFFFFE0]  }
0x155: {  	v7 =	vld [tilespmem:s7+$0xFFFFFFF0]  }
0x156: {  	v8 =	vld [tilespmem:s7+$0xFFFFFF90]  }
0x157: {  	v9 =	vld.idx.msk [tilespmem:v0+s22+$0x0], $0xffff  }
0x158: {  	v10 =	vld.idx.msk [tilespmem:v1+s22+$0x0], $0xffff  }
0x159: {  	v5 =	vld.idx.msk [tilespmem:v2+s22+$0x0], $0xffff  }
0x15a: {  	v3 =	vld.idx.msk [tilespmem:v3+s22+$0x0], $0xffff  }
0x15b: {  	v0 =	vld.idx.msk [tilespmem:v4+s22+$0x0], $0xffff  }
0x15c: {  	s5 =	simm.s32 $0x1D770;
	v1 =	vld.idx.msk [tilespmem:v6+s22+$0x0], $0xffff  }
0x15d: {  	v2 =	vld.idx.msk [tilespmem:v7+s22+$0x0], $0xffff;
	[tilespmem:s5+$0x0] =	vst v9  }
0x15e: {  	s6 =	simm.s32 $0x0;
	s7 =	simm.s32 $0x1B7F0;
	v4 =	vld.idx.msk [tilespmem:v8+s22+$0x0], $0xffff;
	[tilespmem:s5+$0xFFFFFFA0] =	vst v10  }
.LBB2_16:
0x15f: {  	v6 =	vld [tilespmem:s7+$0x0];
	s6 =	sadd.s32 $0x80, s6;
	[tilespmem:s5+$0xFFFFFFB0] =	vst v5  }
0x160: {  	v5 =	vld [tilespmem:s7+$0xFFFFFFA0];
	p0 =	slt.u32 s6, $0xF80;
	[tilespmem:s5+$0xFFFFFFC0] =	vst v3  }
0x161: {  	v3 =	vld [tilespmem:s7+$0xFFFFFFB0];
	[tilespmem:s5+$0xFFFFFFD0] =	vst v0  }
0x162: {  	v0 =	vld [tilespmem:s7+$0xFFFFFFC0];
	[tilespmem:s5+$0xFFFFFFE0] =	vst v1  }
0x163: {  	v1 =	vld [tilespmem:s7+$0xFFFFFFD0];
	[tilespmem:s5+$0xFFFFFFF0] =	vst v2  }
0x164: {  	v2 =	vld [tilespmem:s7+$0xFFFFFFE0];
	[tilespmem:s5+$0xFFFFFF90] =	vst v4  }
0x165: {  	v4 =	vld [tilespmem:s7+$0xFFFFFFF0]  }
0x166: {  	v7 =	vld [tilespmem:s7+$0xFFFFFF90]  }
0x167: {  	v6 =	vld.idx.msk [tilespmem:v6+s22+$0x0], $0xffff  }
0x168: {  	v8 =	vld.idx.msk [tilespmem:v5+s22+$0x0], $0xffff  }
0x169: {  	v5 =	vld.idx.msk [tilespmem:v3+s22+$0x0], $0xffff  }
.Ltmp7:
0x16a: {  	v3 =	vld.idx.msk [tilespmem:v0+s22+$0x0], $0xffff;
	(pc) =	sbr.rel @p0 .LBB2_16-.Ltmp7, $4  }
0x16b: {  	v0 =	vld.idx.msk [tilespmem:v1+s22+$0x0], $0xffff  }
0x16c: {  	s5 =	sadd.s32 $0x80, s5;
	v1 =	vld.idx.msk [tilespmem:v2+s22+$0x0], $0xffff  }
0x16d: {  	v2 =	vld.idx.msk [tilespmem:v4+s22+$0x0], $0xffff;
	[tilespmem:s5+$0x0] =	vst v6  }
0x16e: {  	s7 =	sadd.s32 $0x80, s7;
	v4 =	vld.idx.msk [tilespmem:v7+s22+$0x0], $0xffff;
	[tilespmem:s5+$0xFFFFFFA0] =	vst v8  }
0x16f: {  	[tilespmem:s5+$0xFFFFFFB0] =	vst v5  }
0x170: {  	[tilespmem:s5+$0xFFFFFFC0] =	vst v3  }
0x171: {  	[tilespmem:s5+$0xFFFFFFD0] =	vst v0  }
0x172: {  	[tilespmem:s5+$0xFFFFFFE0] =	vst v1  }
0x173: {  	[tilespmem:s5+$0xFFFFFFF0] =	vst v2  }
0x174: {  	[tilespmem:s5+$0xFFFFFF90] =	vst v4  }
0x175: {  	[tilespmem:s22], [sflag:$0x1] =	stream.strided.gather [hbm4b:s12+s28], $0x18700, s29, s28, $0x38;
	[tilespmem:$0x1F700] =	vst v63  }
0x176: {  	s6 =	rddreg [dreg:$0x1]  }
0x177: {  	[tilespmem:s26], [sflag:$0x3] =	stream.linear.gather [hbm4b:s6+s22], $0x4000, $0x38;
	[tilespmem:$0x1F700] =	vst v63  }
0x178: {  	_ = 	snop  }
0x179: {  	[hbm4b:s15+s28] =	stream.strided.scatter [tilespmem:s0], [sflag:$0x2], $0x1000, s29, s28, $0x38;
	[tilespmem:$0x1F700] =	vst v63  }
0x17a: {  	_ =	swait.ge [sflag:s31], $0x18700  }
0x17b: {  	[sflag:s31] =	ssyncset.done $0x0  }
0x17c: {  	[sflag:s31] =	ssyncadd.s32 $0xFFFE7900  }
0x17d: {  	_ =	swait.ge [sflag:s30], $0x4000  }
0x17e: {  	[sflag:s30] =	ssyncset.done $0x0  }
0x17f: {  	[sflag:s30] =	ssyncadd.s32 $0xFFFFC000  }
0x180: {  	_ =	swait.ge [sflag:s1], $0x1000  }
0x181: {  	[sflag:s1] =	ssyncset.done $0x0  }
0x182: {  	s7 =	simm.s32 $0x18740;
	[sflag:s1] =	ssyncadd.s32 $0xFFFFF000  }
0x183: {  	v0 =	vld [tilespmem:s7+$0x30]  }
0x184: {  	v1 =	vld [tilespmem:s7+$0xFFFFFFD0]  }
0x185: {  	v2 =	vld [tilespmem:s7+$0xFFFFFFE0]  }
0x186: {  	v3 =	vld [tilespmem:s7+$0xFFFFFFF0]  }
0x187: {  	v4 =	vld [tilespmem:s7+$0x0]  }
0x188: {  	v6 =	vld [tilespmem:s7+$0x10]  }
0x189: {  	v7 =	vld [tilespmem:s7+$0x20]  }
0x18a: {  	v8 =	vld [tilespmem:s7+$0xFFFFFFC0]  }
0x18b: {  	v9 =	vld.idx.msk [tilespmem:v0+s22+$0x0], $0xffff  }
0x18c: {  	v10 =	vld.idx.msk [tilespmem:v1+s22+$0x0], $0xffff  }
0x18d: {  	v5 =	vld.idx.msk [tilespmem:v2+s22+$0x0], $0xffff  }
0x18e: {  	v3 =	vld.idx.msk [tilespmem:v3+s22+$0x0], $0xffff  }
0x18f: {  	v0 =	vld.idx.msk [tilespmem:v4+s22+$0x0], $0xffff  }
0x190: {  	s5 =	simm.s32 $0x1E770;
	v1 =	vld.idx.msk [tilespmem:v6+s22+$0x0], $0xffff  }
0x191: {  	v2 =	vld.idx.msk [tilespmem:v7+s22+$0x0], $0xffff;
	[tilespmem:s5+$0x0] =	vst v9  }
0x192: {  	s6 =	simm.s32 $0x0;
	s7 =	simm.s32 $0x187C0;
	v4 =	vld.idx.msk [tilespmem:v8+s22+$0x0], $0xffff;
	[tilespmem:s5+$0xFFFFFFA0] =	vst v10  }
.LBB2_18:
0x193: {  	v6 =	vld [tilespmem:s7+$0x30];
	s6 =	sadd.s32 $0x80, s6;
	[tilespmem:s5+$0xFFFFFFB0] =	vst v5  }
0x194: {  	v5 =	vld [tilespmem:s7+$0xFFFFFFD0];
	p0 =	slt.u32 s6, $0xF80;
	[tilespmem:s5+$0xFFFFFFC0] =	vst v3  }
0x195: {  	v3 =	vld [tilespmem:s7+$0xFFFFFFE0];
	[tilespmem:s5+$0xFFFFFFD0] =	vst v0  }
0x196: {  	v0 =	vld [tilespmem:s7+$0xFFFFFFF0];
	[tilespmem:s5+$0xFFFFFFE0] =	vst v1  }
0x197: {  	v1 =	vld [tilespmem:s7+$0x0];
	[tilespmem:s5+$0xFFFFFFF0] =	vst v2  }
0x198: {  	v2 =	vld [tilespmem:s7+$0x10];
	[tilespmem:s5+$0xFFFFFF90] =	vst v4  }
0x199: {  	v4 =	vld [tilespmem:s7+$0x20]  }
0x19a: {  	v7 =	vld [tilespmem:s7+$0xFFFFFFC0]  }
0x19b: {  	v6 =	vld.idx.msk [tilespmem:v6+s22+$0x0], $0xffff  }
0x19c: {  	v8 =	vld.idx.msk [tilespmem:v5+s22+$0x0], $0xffff  }
0x19d: {  	v5 =	vld.idx.msk [tilespmem:v3+s22+$0x0], $0xffff  }
.Ltmp8:
0x19e: {  	v3 =	vld.idx.msk [tilespmem:v0+s22+$0x0], $0xffff;
	(pc) =	sbr.rel @p0 .LBB2_18-.Ltmp8, $4  }
0x19f: {  	v0 =	vld.idx.msk [tilespmem:v1+s22+$0x0], $0xffff  }
0x1a0: {  	s5 =	sadd.s32 $0x80, s5;
	v1 =	vld.idx.msk [tilespmem:v2+s22+$0x0], $0xffff  }
0x1a1: {  	v2 =	vld.idx.msk [tilespmem:v4+s22+$0x0], $0xffff;
	[tilespmem:s5+$0x0] =	vst v6  }
0x1a2: {  	s7 =	sadd.s32 $0x80, s7;
	v4 =	vld.idx.msk [tilespmem:v7+s22+$0x0], $0xffff;
	[tilespmem:s5+$0xFFFFFFA0] =	vst v8  }
0x1a3: {  	[tilespmem:s5+$0xFFFFFFB0] =	vst v5  }
0x1a4: {  	[tilespmem:s5+$0xFFFFFFC0] =	vst v3  }
0x1a5: {  	[tilespmem:s5+$0xFFFFFFD0] =	vst v0  }
0x1a6: {  	[tilespmem:s5+$0xFFFFFFE0] =	vst v1  }
0x1a7: {  	[tilespmem:s5+$0xFFFFFFF0] =	vst v2  }
0x1a8: {  	[tilespmem:s5+$0xFFFFFF90] =	vst v4  }
0x1a9: {  	[hbm4b:s16+s28] =	stream.strided.scatter [tilespmem:s2], [sflag:$0x2], $0x1000, s29, s28, $0x38;
	[tilespmem:$0x1F700] =	vst v63  }
0x1aa: {  	_ =	swait.ge [sflag:s1], $0x1000  }
0x1ab: {  	[sflag:s1] =	ssyncset.done $0x0  }
0x1ac: {  	s7 =	simm.s32 $0x19770;
	[sflag:s1] =	ssyncadd.s32 $0xFFFFF000  }
0x1ad: {  	v0 =	vld [tilespmem:s7+$0x0]  }
0x1ae: {  	v1 =	vld [tilespmem:s7+$0xFFFFFFA0]  }
0x1af: {  	v2 =	vld [tilespmem:s7+$0xFFFFFFB0]  }
0x1b0: {  	v3 =	vld [tilespmem:s7+$0xFFFFFFC0]  }
0x1b1: {  	v4 =	vld [tilespmem:s7+$0xFFFFFFD0]  }
0x1b2: {  	v6 =	vld [tilespmem:s7+$0xFFFFFFE0]  }
0x1b3: {  	v7 =	vld [tilespmem:s7+$0xFFFFFFF0]  }
0x1b4: {  	v8 =	vld [tilespmem:s7+$0xFFFFFF90]  }
0x1b5: {  	v9 =	vld.idx.msk [tilespmem:v0+s22+$0x0], $0xffff  }
0x1b6: {  	v10 =	vld.idx.msk [tilespmem:v1+s22+$0x0], $0xffff  }
0x1b7: {  	v5 =	vld.idx.msk [tilespmem:v2+s22+$0x0], $0xffff  }
0x1b8: {  	v3 =	vld.idx.msk [tilespmem:v3+s22+$0x0], $0xffff  }
0x1b9: {  	v0 =	vld.idx.msk [tilespmem:v4+s22+$0x0], $0xffff  }
0x1ba: {  	s5 =	simm.s32 $0x1C740;
	v1 =	vld.idx.msk [tilespmem:v6+s22+$0x0], $0xffff  }
0x1bb: {  	v2 =	vld.idx.msk [tilespmem:v7+s22+$0x0], $0xffff;
	[tilespmem:s5+$0x30] =	vst v9  }
0x1bc: {  	s6 =	simm.s32 $0x0;
	s7 =	simm.s32 $0x197F0;
	v4 =	vld.idx.msk [tilespmem:v8+s22+$0x0], $0xffff;
	[tilespmem:s5+$0xFFFFFFD0] =	vst v10  }
.LBB2_20:
0x1bd: {  	v6 =	vld [tilespmem:s7+$0x0];
	s6 =	sadd.s32 $0x80, s6;
	[tilespmem:s5+$0xFFFFFFE0] =	vst v5  }
0x1be: {  	v5 =	vld [tilespmem:s7+$0xFFFFFFA0];
	p0 =	slt.u32 s6, $0xF80;
	[tilespmem:s5+$0xFFFFFFF0] =	vst v3  }
0x1bf: {  	v3 =	vld [tilespmem:s7+$0xFFFFFFB0];
	[tilespmem:s5+$0x0] =	vst v0  }
0x1c0: {  	v0 =	vld [tilespmem:s7+$0xFFFFFFC0];
	[tilespmem:s5+$0x10] =	vst v1  }
0x1c1: {  	v1 =	vld [tilespmem:s7+$0xFFFFFFD0];
	[tilespmem:s5+$0x20] =	vst v2  }
0x1c2: {  	v2 =	vld [tilespmem:s7+$0xFFFFFFE0];
	[tilespmem:s5+$0xFFFFFFC0] =	vst v4  }
0x1c3: {  	v4 =	vld [tilespmem:s7+$0xFFFFFFF0]  }
0x1c4: {  	v7 =	vld [tilespmem:s7+$0xFFFFFF90]  }
0x1c5: {  	v6 =	vld.idx.msk [tilespmem:v6+s22+$0x0], $0xffff  }
0x1c6: {  	v8 =	vld.idx.msk [tilespmem:v5+s22+$0x0], $0xffff  }
0x1c7: {  	v5 =	vld.idx.msk [tilespmem:v3+s22+$0x0], $0xffff  }
.Ltmp9:
0x1c8: {  	v3 =	vld.idx.msk [tilespmem:v0+s22+$0x0], $0xffff;
	(pc) =	sbr.rel @p0 .LBB2_20-.Ltmp9, $4  }
0x1c9: {  	v0 =	vld.idx.msk [tilespmem:v1+s22+$0x0], $0xffff  }
0x1ca: {  	s5 =	sadd.s32 $0x80, s5;
	v1 =	vld.idx.msk [tilespmem:v2+s22+$0x0], $0xffff  }
0x1cb: {  	v2 =	vld.idx.msk [tilespmem:v4+s22+$0x0], $0xffff;
	[tilespmem:s5+$0x30] =	vst v6  }
0x1cc: {  	s7 =	sadd.s32 $0x80, s7;
	v4 =	vld.idx.msk [tilespmem:v7+s22+$0x0], $0xffff;
	[tilespmem:s5+$0xFFFFFFD0] =	vst v8  }
0x1cd: {  	[tilespmem:s5+$0xFFFFFFE0] =	vst v5  }
0x1ce: {  	[tilespmem:s5+$0xFFFFFFF0] =	vst v3  }
0x1cf: {  	[tilespmem:s5+$0x0] =	vst v0  }
0x1d0: {  	[tilespmem:s5+$0x10] =	vst v1  }
0x1d1: {  	[tilespmem:s5+$0x20] =	vst v2  }
0x1d2: {  	[tilespmem:s5+$0xFFFFFFC0] =	vst v4  }
0x1d3: {  	[hbm4b:s17+s28] =	stream.strided.scatter [tilespmem:s3], [sflag:$0x2], $0x1000, s29, s28, $0x38;
	[tilespmem:$0x1F700] =	vst v63  }
0x1d4: {  	_ =	swait.ge [sflag:s1], $0x1000  }
0x1d5: {  	[sflag:s1] =	ssyncset.done $0x0  }
0x1d6: {  	s7 =	simm.s32 $0x1A770;
	[sflag:s1] =	ssyncadd.s32 $0xFFFFF000  }
0x1d7: {  	v0 =	vld [tilespmem:s7+$0x0]  }
0x1d8: {  	v1 =	vld [tilespmem:s7+$0xFFFFFFA0]  }
0x1d9: {  	v2 =	vld [tilespmem:s7+$0xFFFFFFB0]  }
0x1da: {  	v3 =	vld [tilespmem:s7+$0xFFFFFFC0]  }
0x1db: {  	v4 =	vld [tilespmem:s7+$0xFFFFFFD0]  }
0x1dc: {  	v6 =	vld [tilespmem:s7+$0xFFFFFFE0]  }
0x1dd: {  	v7 =	vld [tilespmem:s7+$0xFFFFFFF0]  }
0x1de: {  	v8 =	vld [tilespmem:s7+$0xFFFFFF90]  }
0x1df: {  	v9 =	vld.idx.msk [tilespmem:v0+s22+$0x0], $0xffff  }
0x1e0: {  	v10 =	vld.idx.msk [tilespmem:v1+s22+$0x0], $0xffff  }
0x1e1: {  	v5 =	vld.idx.msk [tilespmem:v2+s22+$0x0], $0xffff  }
0x1e2: {  	v3 =	vld.idx.msk [tilespmem:v3+s22+$0x0], $0xffff  }
0x1e3: {  	v0 =	vld.idx.msk [tilespmem:v4+s22+$0x0], $0xffff  }
0x1e4: {  	s5 =	simm.s32 $0x1D770;
	v1 =	vld.idx.msk [tilespmem:v6+s22+$0x0], $0xffff  }
0x1e5: {  	v2 =	vld.idx.msk [tilespmem:v7+s22+$0x0], $0xffff;
	[tilespmem:s5+$0x0] =	vst v9  }
0x1e6: {  	s6 =	simm.s32 $0x0;
	s7 =	simm.s32 $0x1A7F0;
	v4 =	vld.idx.msk [tilespmem:v8+s22+$0x0], $0xffff;
	[tilespmem:s5+$0xFFFFFFA0] =	vst v10  }
.LBB2_22:
0x1e7: {  	v6 =	vld [tilespmem:s7+$0x0];
	s6 =	sadd.s32 $0x80, s6;
	[tilespmem:s5+$0xFFFFFFB0] =	vst v5  }
0x1e8: {  	v5 =	vld [tilespmem:s7+$0xFFFFFFA0];
	p0 =	slt.u32 s6, $0xF80;
	[tilespmem:s5+$0xFFFFFFC0] =	vst v3  }
0x1e9: {  	v3 =	vld [tilespmem:s7+$0xFFFFFFB0];
	[tilespmem:s5+$0xFFFFFFD0] =	vst v0  }
0x1ea: {  	v0 =	vld [tilespmem:s7+$0xFFFFFFC0];
	[tilespmem:s5+$0xFFFFFFE0] =	vst v1  }
0x1eb: {  	v1 =	vld [tilespmem:s7+$0xFFFFFFD0];
	[tilespmem:s5+$0xFFFFFFF0] =	vst v2  }
0x1ec: {  	v2 =	vld [tilespmem:s7+$0xFFFFFFE0];
	[tilespmem:s5+$0xFFFFFF90] =	vst v4  }
0x1ed: {  	v4 =	vld [tilespmem:s7+$0xFFFFFFF0]  }
0x1ee: {  	v7 =	vld [tilespmem:s7+$0xFFFFFF90]  }
0x1ef: {  	v6 =	vld.idx.msk [tilespmem:v6+s22+$0x0], $0xffff  }
0x1f0: {  	v8 =	vld.idx.msk [tilespmem:v5+s22+$0x0], $0xffff  }
0x1f1: {  	v5 =	vld.idx.msk [tilespmem:v3+s22+$0x0], $0xffff  }
.Ltmp10:
0x1f2: {  	v3 =	vld.idx.msk [tilespmem:v0+s22+$0x0], $0xffff;
	(pc) =	sbr.rel @p0 .LBB2_22-.Ltmp10, $4  }
0x1f3: {  	v0 =	vld.idx.msk [tilespmem:v1+s22+$0x0], $0xffff  }
0x1f4: {  	s5 =	sadd.s32 $0x80, s5;
	v1 =	vld.idx.msk [tilespmem:v2+s22+$0x0], $0xffff  }
0x1f5: {  	v2 =	vld.idx.msk [tilespmem:v4+s22+$0x0], $0xffff;
	[tilespmem:s5+$0x0] =	vst v6  }
0x1f6: {  	s7 =	sadd.s32 $0x80, s7;
	v4 =	vld.idx.msk [tilespmem:v7+s22+$0x0], $0xffff;
	[tilespmem:s5+$0xFFFFFFA0] =	vst v8  }
0x1f7: {  	[tilespmem:s5+$0xFFFFFFB0] =	vst v5  }
0x1f8: {  	[tilespmem:s5+$0xFFFFFFC0] =	vst v3  }
0x1f9: {  	[tilespmem:s5+$0xFFFFFFD0] =	vst v0  }
0x1fa: {  	[tilespmem:s5+$0xFFFFFFE0] =	vst v1  }
0x1fb: {  	[tilespmem:s5+$0xFFFFFFF0] =	vst v2  }
0x1fc: {  	[tilespmem:s5+$0xFFFFFF90] =	vst v4  }
0x1fd: {  	[hbm4b:s18+s28] =	stream.strided.scatter [tilespmem:s0], [sflag:$0x2], $0x1000, s29, s28, $0x38;
	[tilespmem:$0x1F700] =	vst v63  }
0x1fe: {  	_ =	swait.ge [sflag:s1], $0x1000  }
0x1ff: {  	[sflag:s1] =	ssyncset.done $0x0  }
0x200: {  	s7 =	simm.s32 $0x1B770;
	[sflag:s1] =	ssyncadd.s32 $0xFFFFF000  }
0x201: {  	v0 =	vld [tilespmem:s7+$0x0]  }
0x202: {  	v1 =	vld [tilespmem:s7+$0xFFFFFFA0]  }
0x203: {  	v2 =	vld [tilespmem:s7+$0xFFFFFFB0]  }
0x204: {  	v3 =	vld [tilespmem:s7+$0xFFFFFFC0]  }
0x205: {  	v4 =	vld [tilespmem:s7+$0xFFFFFFD0]  }
0x206: {  	v6 =	vld [tilespmem:s7+$0xFFFFFFE0]  }
0x207: {  	v7 =	vld [tilespmem:s7+$0xFFFFFFF0]  }
0x208: {  	v8 =	vld [tilespmem:s7+$0xFFFFFF90]  }
0x209: {  	v9 =	vld.idx.msk [tilespmem:v0+s22+$0x0], $0xffff  }
0x20a: {  	v10 =	vld.idx.msk [tilespmem:v1+s22+$0x0], $0xffff  }
0x20b: {  	v5 =	vld.idx.msk [tilespmem:v2+s22+$0x0], $0xffff  }
0x20c: {  	v3 =	vld.idx.msk [tilespmem:v3+s22+$0x0], $0xffff  }
0x20d: {  	v0 =	vld.idx.msk [tilespmem:v4+s22+$0x0], $0xffff  }
0x20e: {  	s5 =	simm.s32 $0x1E770;
	v1 =	vld.idx.msk [tilespmem:v6+s22+$0x0], $0xffff  }
0x20f: {  	v2 =	vld.idx.msk [tilespmem:v7+s22+$0x0], $0xffff;
	[tilespmem:s5+$0x0] =	vst v9  }
0x210: {  	s6 =	simm.s32 $0x0;
	s7 =	simm.s32 $0x1B7F0;
	v4 =	vld.idx.msk [tilespmem:v8+s22+$0x0], $0xffff;
	[tilespmem:s5+$0xFFFFFFA0] =	vst v10  }
.LBB2_24:
0x211: {  	v6 =	vld [tilespmem:s7+$0x0];
	s6 =	sadd.s32 $0x80, s6;
	[tilespmem:s5+$0xFFFFFFB0] =	vst v5  }
0x212: {  	v5 =	vld [tilespmem:s7+$0xFFFFFFA0];
	p0 =	slt.u32 s6, $0xF80;
	[tilespmem:s5+$0xFFFFFFC0] =	vst v3  }
0x213: {  	v3 =	vld [tilespmem:s7+$0xFFFFFFB0];
	[tilespmem:s5+$0xFFFFFFD0] =	vst v0  }
0x214: {  	v0 =	vld [tilespmem:s7+$0xFFFFFFC0];
	[tilespmem:s5+$0xFFFFFFE0] =	vst v1  }
0x215: {  	v1 =	vld [tilespmem:s7+$0xFFFFFFD0];
	[tilespmem:s5+$0xFFFFFFF0] =	vst v2  }
0x216: {  	v2 =	vld [tilespmem:s7+$0xFFFFFFE0];
	[tilespmem:s5+$0xFFFFFF90] =	vst v4  }
0x217: {  	v4 =	vld [tilespmem:s7+$0xFFFFFFF0]  }
0x218: {  	v7 =	vld [tilespmem:s7+$0xFFFFFF90]  }
0x219: {  	v6 =	vld.idx.msk [tilespmem:v6+s22+$0x0], $0xffff  }
0x21a: {  	v8 =	vld.idx.msk [tilespmem:v5+s22+$0x0], $0xffff  }
0x21b: {  	v5 =	vld.idx.msk [tilespmem:v3+s22+$0x0], $0xffff  }
.Ltmp11:
0x21c: {  	v3 =	vld.idx.msk [tilespmem:v0+s22+$0x0], $0xffff;
	(pc) =	sbr.rel @p0 .LBB2_24-.Ltmp11, $4  }
0x21d: {  	v0 =	vld.idx.msk [tilespmem:v1+s22+$0x0], $0xffff  }
0x21e: {  	s5 =	sadd.s32 $0x80, s5;
	v1 =	vld.idx.msk [tilespmem:v2+s22+$0x0], $0xffff  }
0x21f: {  	v2 =	vld.idx.msk [tilespmem:v4+s22+$0x0], $0xffff;
	[tilespmem:s5+$0x0] =	vst v6  }
0x220: {  	s7 =	sadd.s32 $0x80, s7;
	v4 =	vld.idx.msk [tilespmem:v7+s22+$0x0], $0xffff;
	[tilespmem:s5+$0xFFFFFFA0] =	vst v8  }
0x221: {  	[tilespmem:s5+$0xFFFFFFB0] =	vst v5  }
0x222: {  	[tilespmem:s5+$0xFFFFFFC0] =	vst v3  }
0x223: {  	[tilespmem:s5+$0xFFFFFFD0] =	vst v0  }
0x224: {  	[tilespmem:s5+$0xFFFFFFE0] =	vst v1  }
0x225: {  	[tilespmem:s5+$0xFFFFFFF0] =	vst v2  }
0x226: {  	[tilespmem:s5+$0xFFFFFF90] =	vst v4  }
0x227: {  	[tilespmem:s22], [sflag:$0x1] =	stream.strided.gather [hbm4b:s13+s28], $0x18700, s29, s28, $0x38;
	[tilespmem:$0x1F700] =	vst v63  }
0x228: {  	_ = 	snop  }
0x229: {  	[hbm4b:s19+s28] =	stream.strided.scatter [tilespmem:s2], [sflag:$0x2], $0x1000, s29, s28, $0x38;
	[tilespmem:$0x1F700] =	vst v63  }
0x22a: {  	_ =	swait.ge [sflag:s31], $0x18700  }
0x22b: {  	[sflag:s31] =	ssyncset.done $0x0  }
0x22c: {  	[sflag:s31] =	ssyncadd.s32 $0xFFFE7900  }
0x22d: {  	_ =	swait.ge [sflag:s1], $0x1000  }
0x22e: {  	[sflag:s1] =	ssyncset.done $0x0  }
0x22f: {  	s7 =	simm.s32 $0x18740;
	[sflag:s1] =	ssyncadd.s32 $0xFFFFF000  }
0x230: {  	v0 =	vld [tilespmem:s7+$0x30]  }
0x231: {  	v1 =	vld [tilespmem:s7+$0xFFFFFFD0]  }
0x232: {  	v2 =	vld [tilespmem:s7+$0xFFFFFFE0]  }
0x233: {  	v3 =	vld [tilespmem:s7+$0xFFFFFFF0]  }
0x234: {  	v4 =	vld [tilespmem:s7+$0x0]  }
0x235: {  	v6 =	vld [tilespmem:s7+$0x10]  }
0x236: {  	v7 =	vld [tilespmem:s7+$0x20]  }
0x237: {  	v8 =	vld [tilespmem:s7+$0xFFFFFFC0]  }
0x238: {  	v9 =	vld.idx.msk [tilespmem:v0+s22+$0x0], $0xffff  }
0x239: {  	v10 =	vld.idx.msk [tilespmem:v1+s22+$0x0], $0xffff  }
0x23a: {  	v5 =	vld.idx.msk [tilespmem:v2+s22+$0x0], $0xffff  }
0x23b: {  	v3 =	vld.idx.msk [tilespmem:v3+s22+$0x0], $0xffff  }
0x23c: {  	v0 =	vld.idx.msk [tilespmem:v4+s22+$0x0], $0xffff  }
0x23d: {  	s5 =	simm.s32 $0x1C740;
	v1 =	vld.idx.msk [tilespmem:v6+s22+$0x0], $0xffff  }
0x23e: {  	v2 =	vld.idx.msk [tilespmem:v7+s22+$0x0], $0xffff;
	[tilespmem:s5+$0x30] =	vst v9  }
0x23f: {  	s6 =	simm.s32 $0x0;
	s7 =	simm.s32 $0x187C0;
	v4 =	vld.idx.msk [tilespmem:v8+s22+$0x0], $0xffff;
	[tilespmem:s5+$0xFFFFFFD0] =	vst v10  }
.LBB2_26:
0x240: {  	v6 =	vld [tilespmem:s7+$0x30];
	s6 =	sadd.s32 $0x80, s6;
	[tilespmem:s5+$0xFFFFFFE0] =	vst v5  }
0x241: {  	v5 =	vld [tilespmem:s7+$0xFFFFFFD0];
	p0 =	slt.u32 s6, $0xF80;
	[tilespmem:s5+$0xFFFFFFF0] =	vst v3  }
0x242: {  	v3 =	vld [tilespmem:s7+$0xFFFFFFE0];
	[tilespmem:s5+$0x0] =	vst v0  }
0x243: {  	v0 =	vld [tilespmem:s7+$0xFFFFFFF0];
	[tilespmem:s5+$0x10] =	vst v1  }
0x244: {  	v1 =	vld [tilespmem:s7+$0x0];
	[tilespmem:s5+$0x20] =	vst v2  }
0x245: {  	v2 =	vld [tilespmem:s7+$0x10];
	[tilespmem:s5+$0xFFFFFFC0] =	vst v4  }
0x246: {  	v4 =	vld [tilespmem:s7+$0x20]  }
0x247: {  	v7 =	vld [tilespmem:s7+$0xFFFFFFC0]  }
0x248: {  	v6 =	vld.idx.msk [tilespmem:v6+s22+$0x0], $0xffff  }
0x249: {  	v8 =	vld.idx.msk [tilespmem:v5+s22+$0x0], $0xffff  }
0x24a: {  	v5 =	vld.idx.msk [tilespmem:v3+s22+$0x0], $0xffff  }
.Ltmp12:
0x24b: {  	v3 =	vld.idx.msk [tilespmem:v0+s22+$0x0], $0xffff;
	(pc) =	sbr.rel @p0 .LBB2_26-.Ltmp12, $4  }
0x24c: {  	v0 =	vld.idx.msk [tilespmem:v1+s22+$0x0], $0xffff  }
0x24d: {  	s5 =	sadd.s32 $0x80, s5;
	v1 =	vld.idx.msk [tilespmem:v2+s22+$0x0], $0xffff  }
0x24e: {  	v2 =	vld.idx.msk [tilespmem:v4+s22+$0x0], $0xffff;
	[tilespmem:s5+$0x30] =	vst v6  }
0x24f: {  	s7 =	sadd.s32 $0x80, s7;
	v4 =	vld.idx.msk [tilespmem:v7+s22+$0x0], $0xffff;
	[tilespmem:s5+$0xFFFFFFD0] =	vst v8  }
0x250: {  	[tilespmem:s5+$0xFFFFFFE0] =	vst v5  }
0x251: {  	[tilespmem:s5+$0xFFFFFFF0] =	vst v3  }
0x252: {  	[tilespmem:s5+$0x0] =	vst v0  }
0x253: {  	[tilespmem:s5+$0x10] =	vst v1  }
0x254: {  	[tilespmem:s5+$0x20] =	vst v2  }
0x255: {  	[tilespmem:s5+$0xFFFFFFC0] =	vst v4  }
0x256: {  	[hbm4b:s20+s28] =	stream.strided.scatter [tilespmem:s3], [sflag:$0x2], $0x1000, s29, s28, $0x38;
	[tilespmem:$0x1F700] =	vst v63  }
0x257: {  	_ =	swait.ge [sflag:s1], $0x1000  }
0x258: {  	[sflag:s1] =	ssyncset.done $0x0  }
0x259: {  	s7 =	simm.s32 $0x19770;
	[sflag:s1] =	ssyncadd.s32 $0xFFFFF000  }
0x25a: {  	v0 =	vld [tilespmem:s7+$0x0]  }
0x25b: {  	v1 =	vld [tilespmem:s7+$0xFFFFFFA0]  }
0x25c: {  	v2 =	vld [tilespmem:s7+$0xFFFFFFB0]  }
0x25d: {  	v3 =	vld [tilespmem:s7+$0xFFFFFFC0]  }
0x25e: {  	v4 =	vld [tilespmem:s7+$0xFFFFFFD0]  }
0x25f: {  	v6 =	vld [tilespmem:s7+$0xFFFFFFE0]  }
0x260: {  	v7 =	vld [tilespmem:s7+$0xFFFFFFF0]  }
0x261: {  	v8 =	vld [tilespmem:s7+$0xFFFFFF90]  }
0x262: {  	v9 =	vld.idx.msk [tilespmem:v0+s22+$0x0], $0xffff  }
0x263: {  	v10 =	vld.idx.msk [tilespmem:v1+s22+$0x0], $0xffff  }
0x264: {  	v5 =	vld.idx.msk [tilespmem:v2+s22+$0x0], $0xffff  }
0x265: {  	v3 =	vld.idx.msk [tilespmem:v3+s22+$0x0], $0xffff  }
0x266: {  	v0 =	vld.idx.msk [tilespmem:v4+s22+$0x0], $0xffff  }
0x267: {  	s5 =	simm.s32 $0x1D770;
	v1 =	vld.idx.msk [tilespmem:v6+s22+$0x0], $0xffff  }
0x268: {  	v2 =	vld.idx.msk [tilespmem:v7+s22+$0x0], $0xffff;
	[tilespmem:s5+$0x0] =	vst v9  }
0x269: {  	s6 =	simm.s32 $0x0;
	s7 =	simm.s32 $0x197F0;
	v4 =	vld.idx.msk [tilespmem:v8+s22+$0x0], $0xffff;
	[tilespmem:s5+$0xFFFFFFA0] =	vst v10  }
.LBB2_28:
0x26a: {  	v6 =	vld [tilespmem:s7+$0x0];
	s6 =	sadd.s32 $0x80, s6;
	[tilespmem:s5+$0xFFFFFFB0] =	vst v5  }
0x26b: {  	v5 =	vld [tilespmem:s7+$0xFFFFFFA0];
	p0 =	slt.u32 s6, $0xF80;
	[tilespmem:s5+$0xFFFFFFC0] =	vst v3  }
0x26c: {  	v3 =	vld [tilespmem:s7+$0xFFFFFFB0];
	[tilespmem:s5+$0xFFFFFFD0] =	vst v0  }
0x26d: {  	v0 =	vld [tilespmem:s7+$0xFFFFFFC0];
	[tilespmem:s5+$0xFFFFFFE0] =	vst v1  }
0x26e: {  	v1 =	vld [tilespmem:s7+$0xFFFFFFD0];
	[tilespmem:s5+$0xFFFFFFF0] =	vst v2  }
0x26f: {  	v2 =	vld [tilespmem:s7+$0xFFFFFFE0];
	[tilespmem:s5+$0xFFFFFF90] =	vst v4  }
0x270: {  	v4 =	vld [tilespmem:s7+$0xFFFFFFF0]  }
0x271: {  	v7 =	vld [tilespmem:s7+$0xFFFFFF90]  }
0x272: {  	v6 =	vld.idx.msk [tilespmem:v6+s22+$0x0], $0xffff  }
0x273: {  	v8 =	vld.idx.msk [tilespmem:v5+s22+$0x0], $0xffff  }
0x274: {  	v5 =	vld.idx.msk [tilespmem:v3+s22+$0x0], $0xffff  }
.Ltmp13:
0x275: {  	v3 =	vld.idx.msk [tilespmem:v0+s22+$0x0], $0xffff;
	(pc) =	sbr.rel @p0 .LBB2_28-.Ltmp13, $4  }
0x276: {  	v0 =	vld.idx.msk [tilespmem:v1+s22+$0x0], $0xffff  }
0x277: {  	s5 =	sadd.s32 $0x80, s5;
	v1 =	vld.idx.msk [tilespmem:v2+s22+$0x0], $0xffff  }
0x278: {  	v2 =	vld.idx.msk [tilespmem:v4+s22+$0x0], $0xffff;
	[tilespmem:s5+$0x0] =	vst v6  }
0x279: {  	s7 =	sadd.s32 $0x80, s7;
	v4 =	vld.idx.msk [tilespmem:v7+s22+$0x0], $0xffff;
	[tilespmem:s5+$0xFFFFFFA0] =	vst v8  }
0x27a: {  	[tilespmem:s5+$0xFFFFFFB0] =	vst v5  }
0x27b: {  	[tilespmem:s5+$0xFFFFFFC0] =	vst v3  }
0x27c: {  	[tilespmem:s5+$0xFFFFFFD0] =	vst v0  }
0x27d: {  	[tilespmem:s5+$0xFFFFFFE0] =	vst v1  }
0x27e: {  	[tilespmem:s5+$0xFFFFFFF0] =	vst v2  }
0x27f: {  	[tilespmem:s5+$0xFFFFFF90] =	vst v4  }
0x280: {  	[hbm4b:s21+s28] =	stream.strided.scatter [tilespmem:s0], [sflag:$0x2], $0x1000, s29, s28, $0x38;
	[tilespmem:$0x1F700] =	vst v63  }
0x281: {  	_ =	swait.ge [sflag:s1], $0x1000  }
0x282: {  	[sflag:s1] =	ssyncset.done $0x0  }
0x283: {  	s7 =	simm.s32 $0x1A770;
	[sflag:s1] =	ssyncadd.s32 $0xFFFFF000  }
0x284: {  	v0 =	vld [tilespmem:s7+$0x0]  }
0x285: {  	v1 =	vld [tilespmem:s7+$0xFFFFFFA0]  }
0x286: {  	v2 =	vld [tilespmem:s7+$0xFFFFFFB0]  }
0x287: {  	v3 =	vld [tilespmem:s7+$0xFFFFFFC0]  }
0x288: {  	v4 =	vld [tilespmem:s7+$0xFFFFFFD0]  }
0x289: {  	v6 =	vld [tilespmem:s7+$0xFFFFFFE0]  }
0x28a: {  	v7 =	vld [tilespmem:s7+$0xFFFFFFF0]  }
0x28b: {  	v8 =	vld [tilespmem:s7+$0xFFFFFF90]  }
0x28c: {  	v9 =	vld.idx.msk [tilespmem:v0+s22+$0x0], $0xffff  }
0x28d: {  	v10 =	vld.idx.msk [tilespmem:v1+s22+$0x0], $0xffff  }
0x28e: {  	v5 =	vld.idx.msk [tilespmem:v2+s22+$0x0], $0xffff  }
0x28f: {  	v3 =	vld.idx.msk [tilespmem:v3+s22+$0x0], $0xffff  }
0x290: {  	v0 =	vld.idx.msk [tilespmem:v4+s22+$0x0], $0xffff  }
0x291: {  	s5 =	simm.s32 $0x1E770;
	v1 =	vld.idx.msk [tilespmem:v6+s22+$0x0], $0xffff  }
0x292: {  	v2 =	vld.idx.msk [tilespmem:v7+s22+$0x0], $0xffff;
	[tilespmem:s5+$0x0] =	vst v9  }
0x293: {  	s6 =	simm.s32 $0x0;
	s7 =	simm.s32 $0x1A7F0;
	v4 =	vld.idx.msk [tilespmem:v8+s22+$0x0], $0xffff;
	[tilespmem:s5+$0xFFFFFFA0] =	vst v10  }
.LBB2_30:
0x294: {  	v6 =	vld [tilespmem:s7+$0x0];
	s6 =	sadd.s32 $0x80, s6;
	[tilespmem:s5+$0xFFFFFFB0] =	vst v5  }
0x295: {  	v5 =	vld [tilespmem:s7+$0xFFFFFFA0];
	p0 =	slt.u32 s6, $0xF80;
	[tilespmem:s5+$0xFFFFFFC0] =	vst v3  }
0x296: {  	v3 =	vld [tilespmem:s7+$0xFFFFFFB0];
	[tilespmem:s5+$0xFFFFFFD0] =	vst v0  }
0x297: {  	v0 =	vld [tilespmem:s7+$0xFFFFFFC0];
	[tilespmem:s5+$0xFFFFFFE0] =	vst v1  }
0x298: {  	v1 =	vld [tilespmem:s7+$0xFFFFFFD0];
	[tilespmem:s5+$0xFFFFFFF0] =	vst v2  }
0x299: {  	v2 =	vld [tilespmem:s7+$0xFFFFFFE0];
	[tilespmem:s5+$0xFFFFFF90] =	vst v4  }
0x29a: {  	v4 =	vld [tilespmem:s7+$0xFFFFFFF0]  }
0x29b: {  	v7 =	vld [tilespmem:s7+$0xFFFFFF90]  }
0x29c: {  	v6 =	vld.idx.msk [tilespmem:v6+s22+$0x0], $0xffff  }
0x29d: {  	v8 =	vld.idx.msk [tilespmem:v5+s22+$0x0], $0xffff  }
0x29e: {  	v5 =	vld.idx.msk [tilespmem:v3+s22+$0x0], $0xffff  }
.Ltmp14:
0x29f: {  	v3 =	vld.idx.msk [tilespmem:v0+s22+$0x0], $0xffff;
	(pc) =	sbr.rel @p0 .LBB2_30-.Ltmp14, $4  }
0x2a0: {  	v0 =	vld.idx.msk [tilespmem:v1+s22+$0x0], $0xffff  }
0x2a1: {  	s5 =	sadd.s32 $0x80, s5;
	v1 =	vld.idx.msk [tilespmem:v2+s22+$0x0], $0xffff  }
0x2a2: {  	v2 =	vld.idx.msk [tilespmem:v4+s22+$0x0], $0xffff;
	[tilespmem:s5+$0x0] =	vst v6  }
0x2a3: {  	s7 =	sadd.s32 $0x80, s7;
	v4 =	vld.idx.msk [tilespmem:v7+s22+$0x0], $0xffff;
	[tilespmem:s5+$0xFFFFFFA0] =	vst v8  }
0x2a4: {  	[tilespmem:s5+$0xFFFFFFB0] =	vst v5  }
0x2a5: {  	[tilespmem:s5+$0xFFFFFFC0] =	vst v3  }
0x2a6: {  	[tilespmem:s5+$0xFFFFFFD0] =	vst v0  }
0x2a7: {  	[tilespmem:s5+$0xFFFFFFE0] =	vst v1  }
0x2a8: {  	[tilespmem:s5+$0xFFFFFFF0] =	vst v2  }
0x2a9: {  	[tilespmem:s5+$0xFFFFFF90] =	vst v4  }
0x2aa: {  	[hbm4b:s23+s28] =	stream.strided.scatter [tilespmem:s2], [sflag:$0x2], $0x1000, s29, s28, $0x38;
	[tilespmem:$0x1F700] =	vst v63  }
0x2ab: {  	_ =	swait.ge [sflag:s1], $0x1000  }
0x2ac: {  	[sflag:s1] =	ssyncset.done $0x0  }
0x2ad: {  	s7 =	simm.s32 $0x1B770;
	[sflag:s1] =	ssyncadd.s32 $0xFFFFF000  }
0x2ae: {  	v0 =	vld [tilespmem:s7+$0x0]  }
0x2af: {  	v1 =	vld [tilespmem:s7+$0xFFFFFFA0]  }
0x2b0: {  	v2 =	vld [tilespmem:s7+$0xFFFFFFB0]  }
0x2b1: {  	v3 =	vld [tilespmem:s7+$0xFFFFFFC0]  }
0x2b2: {  	v4 =	vld [tilespmem:s7+$0xFFFFFFD0]  }
0x2b3: {  	v6 =	vld [tilespmem:s7+$0xFFFFFFE0]  }
0x2b4: {  	v7 =	vld [tilespmem:s7+$0xFFFFFFF0]  }
0x2b5: {  	v8 =	vld [tilespmem:s7+$0xFFFFFF90]  }
0x2b6: {  	v9 =	vld.idx.msk [tilespmem:v0+s22+$0x0], $0xffff  }
0x2b7: {  	v10 =	vld.idx.msk [tilespmem:v1+s22+$0x0], $0xffff  }
0x2b8: {  	v5 =	vld.idx.msk [tilespmem:v2+s22+$0x0], $0xffff  }
0x2b9: {  	v3 =	vld.idx.msk [tilespmem:v3+s22+$0x0], $0xffff  }
0x2ba: {  	v0 =	vld.idx.msk [tilespmem:v4+s22+$0x0], $0xffff  }
0x2bb: {  	s5 =	simm.s32 $0x1C740;
	v1 =	vld.idx.msk [tilespmem:v6+s22+$0x0], $0xffff  }
0x2bc: {  	v2 =	vld.idx.msk [tilespmem:v7+s22+$0x0], $0xffff;
	[tilespmem:s5+$0x30] =	vst v9  }
0x2bd: {  	s6 =	simm.s32 $0x0;
	s7 =	simm.s32 $0x1B7F0;
	v4 =	vld.idx.msk [tilespmem:v8+s22+$0x0], $0xffff;
	[tilespmem:s5+$0xFFFFFFD0] =	vst v10  }
.LBB2_32:
0x2be: {  	v6 =	vld [tilespmem:s7+$0x0];
	s6 =	sadd.s32 $0x80, s6;
	[tilespmem:s5+$0xFFFFFFE0] =	vst v5  }
0x2bf: {  	v5 =	vld [tilespmem:s7+$0xFFFFFFA0];
	p0 =	slt.u32 s6, $0xF80;
	[tilespmem:s5+$0xFFFFFFF0] =	vst v3  }
0x2c0: {  	v3 =	vld [tilespmem:s7+$0xFFFFFFB0];
	[tilespmem:s5+$0x0] =	vst v0  }
0x2c1: {  	v0 =	vld [tilespmem:s7+$0xFFFFFFC0];
	[tilespmem:s5+$0x10] =	vst v1  }
0x2c2: {  	v1 =	vld [tilespmem:s7+$0xFFFFFFD0];
	[tilespmem:s5+$0x20] =	vst v2  }
0x2c3: {  	v2 =	vld [tilespmem:s7+$0xFFFFFFE0];
	[tilespmem:s5+$0xFFFFFFC0] =	vst v4  }
0x2c4: {  	v4 =	vld [tilespmem:s7+$0xFFFFFFF0]  }
0x2c5: {  	v7 =	vld [tilespmem:s7+$0xFFFFFF90]  }
0x2c6: {  	v6 =	vld.idx.msk [tilespmem:v6+s22+$0x0], $0xffff  }
0x2c7: {  	v8 =	vld.idx.msk [tilespmem:v5+s22+$0x0], $0xffff  }
0x2c8: {  	v5 =	vld.idx.msk [tilespmem:v3+s22+$0x0], $0xffff  }
.Ltmp15:
0x2c9: {  	v3 =	vld.idx.msk [tilespmem:v0+s22+$0x0], $0xffff;
	(pc) =	sbr.rel @p0 .LBB2_32-.Ltmp15, $4  }
0x2ca: {  	v0 =	vld.idx.msk [tilespmem:v1+s22+$0x0], $0xffff  }
0x2cb: {  	s5 =	sadd.s32 $0x80, s5;
	v1 =	vld.idx.msk [tilespmem:v2+s22+$0x0], $0xffff  }
0x2cc: {  	v2 =	vld.idx.msk [tilespmem:v4+s22+$0x0], $0xffff;
	[tilespmem:s5+$0x30] =	vst v6  }
0x2cd: {  	s7 =	sadd.s32 $0x80, s7;
	v4 =	vld.idx.msk [tilespmem:v7+s22+$0x0], $0xffff;
	[tilespmem:s5+$0xFFFFFFD0] =	vst v8  }
0x2ce: {  	[tilespmem:s5+$0xFFFFFFE0] =	vst v5  }
0x2cf: {  	[tilespmem:s5+$0xFFFFFFF0] =	vst v3  }
0x2d0: {  	[tilespmem:s5+$0x0] =	vst v0  }
0x2d1: {  	[tilespmem:s5+$0x10] =	vst v1  }
0x2d2: {  	[tilespmem:s5+$0x20] =	vst v2  }
0x2d3: {  	s4 =	sadd.s32 $0x1, s4;
	[tilespmem:s5+$0xFFFFFFC0] =	vst v4  }
0x2d4: {  	[hbm4b:s24+s28] =	stream.strided.scatter [tilespmem:s3], [sflag:$0x2], $0x1000, s29, s28, $0x38;
	[tilespmem:$0x1F700] =	vst v63  }
0x2d5: {  	p0 =	sne.s32 s4, s25;
	_ =	swait.ge [sflag:s1], $0x1000  }
.Ltmp16:
0x2d6: {  	[sflag:s1] =	ssyncset.done $0x0;
	(pc) =	sbr.rel @p0 .LBB2_1-.Ltmp16, $4  }
0x2d7: {  	[sflag:s1] =	ssyncadd.s32 $0xFFFFF000  }
0x2d8: {  	_ =	swait.ge [sflag:s1], $0x1000  }
0x2d9: {  	[sflag:s1] =	ssyncset.done $0x0  }
0x2da: {  	[sflag:s1] =	ssyncadd.s32 $0xFFFFF000  }
0x2db: {  	_ =	sfence.sel $0x180000  }
0x2dc: {  	[bflag:$0x0] =	sbarrier.arrive $0xFFFF  }
0x2dd: {  	_ =	strace $0x90000047  }
0x2de: {  	s0 =	stileid.u32;
	[bflag:$0x2] =	sbarrier.arrive $0xFFFF  }
0x2df: {  	p0 =	sne.s32 s0, $0x0;
	s0 =	rddreg [dreg:$0x6]  }
0x2e0: {  	s0 =	sadd.s32 @!p0 $0x100000, s0  }
0x2e1: {  	[sflag:s0] =	ssyncadd.tile.s32 @!p0 $0x1;
	_ =	shalt  }
.Lfunc_end2:
_tile_overlayer_lowered:
.L_overlay_start_2:
0x2e2: {  	(tag) =	ssettag $0x2  }
0x2e3: {  	s0 =	rddreg [dreg:$0x0];
	s2 =	stileid.u32  }
0x2e4: {  	s1 =	rddreg [dreg:$0x1];
	p0 =	sne.s32 s2, $0x0  }
0x2e5: {  	s3 =	rddreg [dreg:$0x2];
	[bflag:$0x3] =	sbarrier.arrive $0xFFFF;
	s2 =	simm.s32 @!p0 $0x1C04  }
0x2e6: {  	[timem:s3], [sflag:s2] =	dma.local @!p0 [hbm:s0], s1  }
0x2e7: {  	s0 =	simm.s32 @!p0 $0x4  }
0x2e8: {  	_ =	swait.ge @!p0 [sflag:s0], s1  }
0x2e9: {  	s1 =	ssub.s32 @!p0 $0x0, s1;
	[sflag:s0] =	ssyncset.done @!p0 $0x0  }
0x2ea: {  	[sflag:s0] =	ssyncadd.s32 @!p0 s1  }
0x2eb: {  	[bflag:$0x3] =	sbarrier.arrive $0xFFFF  }
0x2ec: {  	_ =	shalt  }

</sc_bundles>
